<compile_context>
chip_gen: v7x
topology: tpu7x:2x2x1
jax: 0.10.2.dev20260603
libtpu: 0.0.44.dev20260713+nightly
codegen_flags: <defaults>
</compile_context>

<pallas_src>
import functools

import jax
import jax.numpy as jnp
from jax import lax
from jax.experimental import pallas as pl
from jax.experimental.pallas import tpu as pltpu
from jax.experimental.pallas import tpu_sc as plsc

_N = 10000
_D = 128
_E = 320000

_NC = 2
_NS = 16
_NW = _NC * _NS
_EPT = _E // _NW
_C = 80
_NCHUNK = _EPT // _C
_NPAD = 10240
_RPT = _NPAD // _NS

_R = 1000
_GRID = _N // _R

_mesh = plsc.VectorSubcoreMesh(core_axis_name="c", subcore_axis_name="s")


def _zero_vmem_2d(ref, rows, cols):
    def row(i, carry):
        def col(j, carry2):
            ref[i, pl.ds(j * 16, 16)] = jnp.zeros((16,), jnp.float32)
            return carry2
        return lax.fori_loop(0, cols // 16, col, carry)
    lax.fori_loop(0, rows, row, 0)


def _zero_vmem_1d(ref, n):
    def body(i, carry):
        ref[pl.ds(i * 16, 16)] = jnp.zeros((16,), jnp.float32)
        return carry
    lax.fori_loop(0, n // 16, body, 0)


def _deg_body(dst_hbm, out_hbm, dst_v, ones_v, zrow_v, acc_sh):
    c = lax.axis_index("c")
    s = lax.axis_index("s")
    wid = c * _NS + s

    def fill_ones(i, carry):
        ones_v[pl.ds(i * 16, 16)] = jnp.ones((16,), jnp.float32)
        return carry
    lax.fori_loop(0, _C // 16, fill_ones, 0)
    _zero_vmem_1d(zrow_v, _RPT)
    pltpu.sync_copy(zrow_v, acc_sh.at[pl.ds(s * _RPT, _RPT)])
    plsc.subcore_barrier()

    pltpu.sync_copy(dst_hbm.at[wid], dst_v)

    def chunk(g, carry):
        pltpu.sync_copy(ones_v, acc_sh.at[dst_v.at[g]], add=True)
        return carry
    lax.fori_loop(0, _NCHUNK, chunk, 0)

    plsc.subcore_barrier()
    pltpu.sync_copy(acc_sh.at[pl.ds(s * _RPT, _RPT)],
                    out_hbm.at[c, pl.ds(s * _RPT, _RPT)])


_deg_kernel = pl.kernel(
    _deg_body,
    out_type=jax.ShapeDtypeStruct((_NC, _NPAD), jnp.float32),
    mesh=_mesh,
    scratch_types=[
        pltpu.VMEM((_NCHUNK, _C), jnp.int32),
        pltpu.VMEM((_C,), jnp.float32),
        pltpu.VMEM((_RPT,), jnp.float32),
        pltpu.VMEM_SHARED((_NPAD,), jnp.float32),
    ],
)


def _agg_body(h_hbm, src_hbm, dst_hbm, out_hbm,
              src_v, dst_v, rows_v, acc_sh, sem):
    c = lax.axis_index("c")
    s = lax.axis_index("s")
    wid = c * _NS + s

    _zero_vmem_2d(rows_v, _C, _D)
    for k in range(_RPT // _C):
        pltpu.sync_copy(rows_v, acc_sh.at[pl.ds(s * _RPT + k * _C, _C)])
    plsc.subcore_barrier()

    pltpu.sync_copy(src_hbm.at[wid], src_v)
    pltpu.sync_copy(dst_hbm.at[wid], dst_v)

    def chunk(g, carry):
        pltpu.async_copy(h_hbm.at[src_v.at[g]], rows_v, sem).wait()
        pltpu.sync_copy(rows_v, acc_sh.at[dst_v.at[g]], add=True)
        return carry
    lax.fori_loop(0, _NCHUNK, chunk, 0)

    plsc.subcore_barrier()
    pltpu.sync_copy(acc_sh.at[pl.ds(s * _RPT, _RPT)],
                    out_hbm.at[c, pl.ds(s * _RPT, _RPT)])


_agg_kernel = pl.kernel(
    _agg_body,
    out_type=jax.ShapeDtypeStruct((_NC, _NPAD, _D), jnp.float32),
    mesh=_mesh,
    scratch_types=[
        pltpu.VMEM((_NCHUNK, _C), jnp.int32),
        pltpu.VMEM((_NCHUNK, _C), jnp.int32),
        pltpu.VMEM((_C, _D), jnp.float32),
        pltpu.VMEM_SHARED((_NPAD, _D), jnp.float32),
        pltpu.SemaphoreType.DMA,
    ],
)


def _dinv(d0, d1):
    return lax.rsqrt(d0 + d1 + 1.0)


def _l1_body(x_ref, w_ref, d0_ref, d1_ref, o_ref):
    dinv = _dinv(d0_ref[...], d1_ref[...])
    h = jnp.dot(x_ref[...], w_ref[...], preferred_element_type=jnp.float32)
    o_ref[...] = h * dinv


def _mid_body(p0_ref, p1_ref, h_ref, d0_ref, d1_ref, b_ref, w_ref, o_ref):
    dinv = _dinv(d0_ref[...], d1_ref[...])
    t = dinv * (p0_ref[...] + p1_ref[...] + h_ref[...]) + b_ref[...]
    t = jnp.maximum(t, 0.0)
    o_ref[...] = jnp.dot(t, w_ref[...],
                         preferred_element_type=jnp.float32) * dinv


def _end_body(p0_ref, p1_ref, h_ref, d0_ref, d1_ref, b_ref, o_ref):
    dinv = _dinv(d0_ref[...], d1_ref[...])
    o_ref[...] = dinv * (p0_ref[...] + p1_ref[...] + h_ref[...]) + b_ref[...]


_row_spec = pl.BlockSpec((_R, _D), lambda i: (i, 0))
_deg_spec = pl.BlockSpec((_R, 1), lambda i: (i, 0))
_w_spec = pl.BlockSpec((_D, _D), lambda i: (0, 0))
_b_spec = pl.BlockSpec((1, _D), lambda i: (0, 0))
_out_sds = jax.ShapeDtypeStruct((_N, _D), jnp.float32)

_l1_call = pl.pallas_call(
    _l1_body,
    grid=(_GRID,),
    in_specs=[_row_spec, _w_spec, _deg_spec, _deg_spec],
    out_specs=_row_spec,
    out_shape=_out_sds,
)

_mid_call = pl.pallas_call(
    _mid_body,
    grid=(_GRID,),
    in_specs=[_row_spec, _row_spec, _row_spec, _deg_spec, _deg_spec,
              _b_spec, _w_spec],
    out_specs=_row_spec,
    out_shape=_out_sds,
)

_end_call = pl.pallas_call(
    _end_body,
    grid=(_GRID,),
    in_specs=[_row_spec, _row_spec, _row_spec, _deg_spec, _deg_spec, _b_spec],
    out_specs=_row_spec,
    out_shape=_out_sds,
)


@jax.jit
def kernel(x, edge_index, W1, b1, W2, b2):
    src3 = edge_index[0].reshape(_NW, _NCHUNK, _C)
    dst3 = edge_index[1].reshape(_NW, _NCHUNK, _C)

    degp = _deg_kernel(dst3)
    d0 = degp[0].reshape(_NPAD, 1)
    d1 = degp[1].reshape(_NPAD, 1)

    h1 = _l1_call(x, W1, d0, d1)
    p1 = _agg_kernel(h1, src3, dst3)
    h2 = _mid_call(p1[0], p1[1], h1, d0, d1, b1.reshape(1, _D), W2)
    p2 = _agg_kernel(h2, src3, dst3)
    return _end_call(p2[0], p2[1], h2, d0, d1, b2.reshape(1, _D))

# --- scband reference (transcript-rebuilt; emitter-appended) ---
"""Pipeline reference for scband-gcnencoder-56856777064619 (READ-ONLY COPY).

The authoritative reference and input builder live on the scoring server;
editing this copy changes nothing except your own understanding.
"""

import jax, jax.numpy as jnp
import numpy as np

N = 10000
E = 320000
D = 128


def gcn_conv(x, edge_index, W, b, n):
    # PyG GCNConv: add self-loops, symmetric normalization D^-1/2 A D^-1/2
    src = edge_index[0]
    dst = edge_index[1]
    loop = jnp.arange(n, dtype=src.dtype)
    src = jnp.concatenate([src, loop])
    dst = jnp.concatenate([dst, loop])
    deg = jnp.zeros((n,), dtype=x.dtype).at[dst].add(1.0)
    dinv = jnp.where(deg > 0, deg ** -0.5, 0.0)
    norm = dinv[src] * dinv[dst]
    h = x @ W
    msg = h[src] * norm[:, None]
    out = jnp.zeros((n, W.shape[1]), dtype=x.dtype).at[dst].add(msg)
    return out + b


def setup_inputs(seed: int = 0) -> dict:
    key = jax.random.key(seed)
    k1, k2, k3, k4, k5, k6 = jax.random.split(key, 6)
    x = jax.random.normal(k1, (N, D), dtype=jnp.float32)
    edge_index = jax.random.randint(k2, (2, E), 0, N).astype(jnp.int32)
    # learned params: two GCNConv layers (input_dim=hidden_dim=output_dim=128)
    s1 = 1.0 / np.sqrt(D)
    W1 = jax.random.uniform(k3, (D, D), dtype=jnp.float32, minval=-s1, maxval=s1)
    b1 = jnp.zeros((D,), dtype=jnp.float32)
    W2 = jax.random.uniform(k4, (D, D), dtype=jnp.float32, minval=-s1, maxval=s1)
    b2 = jnp.zeros((D,), dtype=jnp.float32)
    return {"x": x, "edge_index": edge_index, "W1": W1, "b1": b1, "W2": W2, "b2": b2}


def reference(x, edge_index, W1, b1, W2, b2):
    # layer 1
    h = gcn_conv(x, edge_index, W1, b1, N)
    h = jax.nn.relu(h)
    # dropout(p=0.5) is identity in eval mode
    # layer 2 (final, no activation)
    out = gcn_conv(h, edge_index, W2, b2, N)
    return out

if __name__ == "__main__":
    import jax
    _d = setup_inputs()
    print(jax.jit(kernel)(*tuple(_d.values())))

</pallas_src>

<mosaic_0001>
#map = affine_map<(d0, d1) -> (0, 0, 0)>
#map1 = affine_map<(d0, d1) -> (0, 0)>
module attributes {stable_mosaic.version = 14 : i64} {
  func.func @_deg_body(%arg0: i32, %arg1: i32, %arg2: memref<32x125x80xi32, #tpu.memory_space<hbm>>, %arg3: memref<2x10240xf32, #tpu.memory_space<hbm>>, %arg4: memref<125x80xi32, #tpu.memory_space<vmem>>, %arg5: memref<80xf32, #tpu.memory_space<vmem>>, %arg6: memref<640xf32, #tpu.memory_space<vmem>>, %arg7: memref<10240xf32, #tpu.memory_space<vmem_shared>>) attributes {dimension_semantics = [#tpu.dimension_semantics<core_parallel>, #tpu.dimension_semantics<subcore_parallel>], iteration_bounds = array<i64: 2, 16>, scalar_prefetch = 0 : i64, scratch_operands = 4 : i64, tpu.core_type = #tpu.core_type<sc_vector_subcore>, window_params = [{transform_indices = #map}, {transform_indices = #map1}]} {
    %mul3A = arith.constant 16 : i32
    %mul3A_0 = arith.muli %arg0, %mul3A : i32
    %add3A = arith.addi %mul3A_0, %arg1 : i32
    %scan3A = arith.constant 0 : i32
    %scan3A_1 = arith.constant 0 : i32
    %scan3A_2 = arith.constant 5 : i32
    %scan3A_3 = arith.addi %scan3A_1, %scan3A_2 : i32
    %scan3A_4 = arith.constant 1 : i32
    scf.for %scan3A_25 = %scan3A_1 to %scan3A_3 step %scan3A_4  : i32 {
      %broadcast_in_dim3A = arith.constant 1.000000e+00 : f32
      %broadcast_in_dim3A_26 = vector.broadcast %broadcast_in_dim3A : f32 to vector<16xf32>
      %mul3A_27 = arith.constant 16 : i32
      %mul3A_28 = arith.muli %scan3A_25, %mul3A_27 : i32
      %swap3A = arith.index_cast %mul3A_28 : i32 to index
      %swap3A_29 = tpu.vector_load %arg5[%swap3A] {strides = array<i32>} : memref<80xf32, #tpu.memory_space<vmem>>, vector<16xf32>,
      %swap3A_30 = vector.shape_cast %swap3A_29 : vector<16xf32> to vector<16xf32>
      %swap3A_31 = vector.shape_cast %broadcast_in_dim3A_26 : vector<16xf32> to vector<16xf32>
      tpu.vector_store %arg5[%swap3A], %swap3A_31 {strides = array<i32>} : memref<80xf32, #tpu.memory_space<vmem>>, vector<16xf32>,
    }
    %scan3A_5 = arith.constant 5 : i32
    %scan3A_6 = arith.constant 0 : i32
    %scan3A_7 = arith.constant 0 : i32
    %scan3A_8 = arith.constant 40 : i32
    %scan3A_9 = arith.addi %scan3A_7, %scan3A_8 : i32
    %scan3A_10 = arith.constant 1 : i32
    scf.for %scan3A_25 = %scan3A_7 to %scan3A_9 step %scan3A_10  : i32 {
      %broadcast_in_dim3A = arith.constant 0.000000e+00 : f32
      %broadcast_in_dim3A_26 = vector.broadcast %broadcast_in_dim3A : f32 to vector<16xf32>
      %mul3A_27 = arith.constant 16 : i32
      %mul3A_28 = arith.muli %scan3A_25, %mul3A_27 : i32
      %swap3A = arith.index_cast %mul3A_28 : i32 to index
      %swap3A_29 = tpu.vector_load %arg6[%swap3A] {strides = array<i32>} : memref<640xf32, #tpu.memory_space<vmem>>, vector<16xf32>,
      %swap3A_30 = vector.shape_cast %swap3A_29 : vector<16xf32> to vector<16xf32>
      %swap3A_31 = vector.shape_cast %broadcast_in_dim3A_26 : vector<16xf32> to vector<16xf32>
      tpu.vector_store %arg6[%swap3A], %swap3A_31 {strides = array<i32>} : memref<640xf32, #tpu.memory_space<vmem>>, vector<16xf32>,
    }
    %scan3A_11 = arith.constant 40 : i32
    %mul3A_12 = arith.constant 640 : i32
    %mul3A_13 = arith.muli %arg1, %mul3A_12 : i32
    "tpu.region"() ({
      %run_scoped3A = tpu.sem_alloc : memref<!tpu.dma_semaphore, #tpu.memory_space<semaphore_mem>>
      %dma_start3A = tpu.memref_slice %arg7[%mul3A_13] : memref<10240xf32, #tpu.memory_space<vmem_shared>> -> memref<640xf32, #tpu.memory_space<vmem_shared>>
      %dma_start3A_25 = tpu.memref_slice %arg7[%mul3A_13] : memref<10240xf32, #tpu.memory_space<vmem_shared>> -> memref<640xf32, #tpu.memory_space<vmem_shared>>
      tpu.enqueue_dma source(%arg6 : memref<640xf32, #tpu.memory_space<vmem>>) target(%dma_start3A_25 : memref<640xf32, #tpu.memory_space<vmem_shared>>) target_semaphore(%run_scoped3A : memref<!tpu.dma_semaphore, #tpu.memory_space<semaphore_mem>>)
      %dma_wait3A = tpu.memref_slice %arg7[%mul3A_13] : memref<10240xf32, #tpu.memory_space<vmem_shared>> -> memref<640xf32, #tpu.memory_space<vmem_shared>>
      %dma_wait3A_26 = tpu.memref_slice %arg7[%mul3A_13] : memref<10240xf32, #tpu.memory_space<vmem_shared>> -> memref<640xf32, #tpu.memory_space<vmem_shared>>
      tpu.wait_dma2 semaphore(%run_scoped3A : memref<!tpu.dma_semaphore, #tpu.memory_space<semaphore_mem>>) src(%arg6 : memref<640xf32, #tpu.memory_space<vmem>>) dst(%dma_wait3A_26 : memref<640xf32, #tpu.memory_space<vmem_shared>>)
      tpu.yield
    }) : () -> ()
    %barrier3A = arith.constant 0 : index
    tpu.barrier barrier_id(%barrier3A)
    "tpu.region"() ({
      %run_scoped3A = tpu.sem_alloc : memref<!tpu.dma_semaphore, #tpu.memory_space<semaphore_mem>>
      %dma_start3A = arith.constant 0 : i32
      %dma_start3A_25 = arith.constant 0 : i32
      %dma_start3A_26 = tpu.memref_slice %arg2[%add3A, %dma_start3A, %dma_start3A_25] : memref<32x125x80xi32, #tpu.memory_space<hbm>> -> memref<1x125x80xi32, #tpu.memory_space<hbm>>
      %dma_start3A_27 = tpu.memref_squeeze %dma_start3A_26 : memref<1x125x80xi32, #tpu.memory_space<hbm>> -> memref<125x80xi32, #tpu.memory_space<hbm>>
      %dma_start3A_28 = arith.constant 0 : i32
      %dma_start3A_29 = arith.constant 0 : i32
      %dma_start3A_30 = tpu.memref_slice %arg2[%add3A, %dma_start3A_28, %dma_start3A_29] : memref<32x125x80xi32, #tpu.memory_space<hbm>> -> memref<1x125x80xi32, #tpu.memory_space<hbm>>
      %dma_start3A_31 = tpu.memref_squeeze %dma_start3A_30 : memref<1x125x80xi32, #tpu.memory_space<hbm>> -> memref<125x80xi32, #tpu.memory_space<hbm>>
      tpu.enqueue_dma source(%dma_start3A_31 : memref<125x80xi32, #tpu.memory_space<hbm>>) target(%arg4 : memref<125x80xi32, #tpu.memory_space<vmem>>) target_semaphore(%run_scoped3A : memref<!tpu.dma_semaphore, #tpu.memory_space<semaphore_mem>>)
      %dma_wait3A = arith.constant 0 : i32
      %dma_wait3A_32 = arith.constant 0 : i32
      %dma_wait3A_33 = tpu.memref_slice %arg2[%add3A, %dma_wait3A, %dma_wait3A_32] : memref<32x125x80xi32, #tpu.memory_space<hbm>> -> memref<1x125x80xi32, #tpu.memory_space<hbm>>
      %dma_wait3A_34 = tpu.memref_squeeze %dma_wait3A_33 : memref<1x125x80xi32, #tpu.memory_space<hbm>> -> memref<125x80xi32, #tpu.memory_space<hbm>>
      %dma_wait3A_35 = arith.constant 0 : i32
      %dma_wait3A_36 = arith.constant 0 : i32
      %dma_wait3A_37 = tpu.memref_slice %arg2[%add3A, %dma_wait3A_35, %dma_wait3A_36] : memref<32x125x80xi32, #tpu.memory_space<hbm>> -> memref<1x125x80xi32, #tpu.memory_space<hbm>>
      %dma_wait3A_38 = tpu.memref_squeeze %dma_wait3A_37 : memref<1x125x80xi32, #tpu.memory_space<hbm>> -> memref<125x80xi32, #tpu.memory_space<hbm>>
      tpu.wait_dma2 semaphore(%run_scoped3A : memref<!tpu.dma_semaphore, #tpu.memory_space<semaphore_mem>>) src(%dma_wait3A_38 : memref<125x80xi32, #tpu.memory_space<hbm>>) dst(%arg4 : memref<125x80xi32, #tpu.memory_space<vmem>>)
      tpu.yield
    }) : () -> ()
    %scan3A_14 = arith.constant 0 : i32
    %scan3A_15 = arith.constant 0 : i32
    %scan3A_16 = arith.constant 125 : i32
    %scan3A_17 = arith.addi %scan3A_15, %scan3A_16 : i32
    %scan3A_18 = arith.constant 1 : i32
    scf.for %scan3A_25 = %scan3A_15 to %scan3A_17 step %scan3A_18  : i32 {
      "tpu.region"() ({
        %run_scoped3A = tpu.sem_alloc : memref<!tpu.dma_semaphore, #tpu.memory_space<semaphore_mem>>
        %dma_start3A = arith.constant 0 : i32
        %dma_start3A_26 = tpu.memref_slice %arg4[%scan3A_25, %dma_start3A] : memref<125x80xi32, #tpu.memory_space<vmem>> -> memref<1x80xi32, #tpu.memory_space<vmem>>
        %dma_start3A_27 = tpu.memref_squeeze %dma_start3A_26 : memref<1x80xi32, #tpu.memory_space<vmem>> -> memref<80xi32, #tpu.memory_space<vmem>>
        %dma_start3A_28 = arith.constant 0 : i32
        %dma_start3A_29 = tpu.memref_slice %arg7[%dma_start3A_28] : memref<10240xf32, #tpu.memory_space<vmem_shared>> -> memref<10240xf32, #tpu.memory_space<vmem_shared>>
        tpu.enqueue_indirect_dma source(%arg5 : memref<80xf32, #tpu.memory_space<vmem>>) target(%dma_start3A_29 : memref<10240xf32, #tpu.memory_space<vmem_shared>>) offsets(%dma_start3A_27 : memref<80xi32, #tpu.memory_space<vmem>>) semaphore(%run_scoped3A : memref<!tpu.dma_semaphore, #tpu.memory_space<semaphore_mem>>) {add = true}
        %dma_wait3A = arith.constant 0 : i32
        %dma_wait3A_30 = tpu.memref_slice %arg4[%scan3A_25, %dma_wait3A] : memref<125x80xi32, #tpu.memory_space<vmem>> -> memref<1x80xi32, #tpu.memory_space<vmem>>
        %dma_wait3A_31 = tpu.memref_squeeze %dma_wait3A_30 : memref<1x80xi32, #tpu.memory_space<vmem>> -> memref<80xi32, #tpu.memory_space<vmem>>
        %dma_wait3A_32 = arith.constant 0 : i32
        %dma_wait3A_33 = tpu.memref_slice %arg7[%dma_wait3A_32] : memref<10240xf32, #tpu.memory_space<vmem_shared>> -> memref<10240xf32, #tpu.memory_space<vmem_shared>>
        tpu.wait_indirect_dma semaphore(%run_scoped3A : memref<!tpu.dma_semaphore, #tpu.memory_space<semaphore_mem>>) src(%arg5 : memref<80xf32, #tpu.memory_space<vmem>>) dst(%dma_wait3A_33 : memref<10240xf32, #tpu.memory_space<vmem_shared>>)
        tpu.yield
      }) : () -> ()
    }
    %scan3A_19 = arith.constant 125 : i32
    %barrier3A_20 = arith.constant 0 : index
    tpu.barrier barrier_id(%barrier3A_20)
    %mul3A_21 = arith.constant 640 : i32
    %mul3A_22 = arith.muli %arg1, %mul3A_21 : i32
    %mul3A_23 = arith.constant 640 : i32
    %mul3A_24 = arith.muli %arg1, %mul3A_23 : i32
    "tpu.region"() ({
      %run_scoped3A = tpu.sem_alloc : memref<!tpu.dma_semaphore, #tpu.memory_space<semaphore_mem>>
      %dma_start3A = tpu.memref_slice %arg3[%arg0, %mul3A_24] : memref<2x10240xf32, #tpu.memory_space<hbm>> -> memref<1x640xf32, #tpu.memory_space<hbm>>
      %dma_start3A_25 = tpu.memref_squeeze %dma_start3A : memref<1x640xf32, #tpu.memory_space<hbm>> -> memref<640xf32, #tpu.memory_space<hbm>>
      %dma_start3A_26 = tpu.memref_slice %arg7[%mul3A_22] : memref<10240xf32, #tpu.memory_space<vmem_shared>> -> memref<640xf32, #tpu.memory_space<vmem_shared>>
      tpu.enqueue_dma source(%dma_start3A_26 : memref<640xf32, #tpu.memory_space<vmem_shared>>) target(%dma_start3A_25 : memref<640xf32, #tpu.memory_space<hbm>>) target_semaphore(%run_scoped3A : memref<!tpu.dma_semaphore, #tpu.memory_space<semaphore_mem>>)
      %dma_wait3A = tpu.memref_slice %arg3[%arg0, %mul3A_24] : memref<2x10240xf32, #tpu.memory_space<hbm>> -> memref<1x640xf32, #tpu.memory_space<hbm>>
      %dma_wait3A_27 = tpu.memref_squeeze %dma_wait3A : memref<1x640xf32, #tpu.memory_space<hbm>> -> memref<640xf32, #tpu.memory_space<hbm>>
      %dma_wait3A_28 = tpu.memref_slice %arg7[%mul3A_22] : memref<10240xf32, #tpu.memory_space<vmem_shared>> -> memref<640xf32, #tpu.memory_space<vmem_shared>>
      tpu.wait_dma2 semaphore(%run_scoped3A : memref<!tpu.dma_semaphore, #tpu.memory_space<semaphore_mem>>) src(%dma_wait3A_28 : memref<640xf32, #tpu.memory_space<vmem_shared>>) dst(%dma_wait3A_27 : memref<640xf32, #tpu.memory_space<hbm>>)
      tpu.yield
    }) : () -> ()
    return
  }
}

#map = affine_map<(d0, d1) -> (0, 0)>
#map1 = affine_map<(d0, d1) -> (0, 0, 0)>
module attributes {stable_mosaic.version = 14 : i64} {
  func.func @_agg_body(%arg0: i32, %arg1: i32, %arg2: memref<10000x128xf32, #tpu.memory_space<hbm>>, %arg3: memref<32x125x80xi32, #tpu.memory_space<hbm>>, %arg4: memref<32x125x80xi32, #tpu.memory_space<hbm>>, %arg5: memref<2x10240x128xf32, #tpu.memory_space<hbm>>, %arg6: memref<125x80xi32, #tpu.memory_space<vmem>>, %arg7: memref<125x80xi32, #tpu.memory_space<vmem>>, %arg8: memref<80x128xf32, #tpu.memory_space<vmem>>, %arg9: memref<10240x128xf32, #tpu.memory_space<vmem_shared>>, %arg10: memref<!tpu.dma_semaphore, #tpu.memory_space<semaphore_mem>>) attributes {dimension_semantics = [#tpu.dimension_semantics<core_parallel>, #tpu.dimension_semantics<subcore_parallel>], iteration_bounds = array<i64: 2, 16>, scalar_prefetch = 0 : i64, scratch_operands = 5 : i64, tpu.core_type = #tpu.core_type<sc_vector_subcore>, window_params = [{transform_indices = #map}, {transform_indices = #map1}, {transform_indices = #map1}, {transform_indices = #map1}]} {
    %mul3A = arith.constant 16 : i32
    %mul3A_0 = arith.muli %arg0, %mul3A : i32
    %add3A = arith.addi %mul3A_0, %arg1 : i32
    %scan3A = arith.constant 0 : i32
    %scan3A_1 = arith.constant 0 : i32
    %scan3A_2 = arith.constant 80 : i32
    %scan3A_3 = arith.addi %scan3A_1, %scan3A_2 : i32
    %scan3A_4 = arith.constant 1 : i32
    scf.for %scan3A_49 = %scan3A_1 to %scan3A_3 step %scan3A_4  : i32 {
      %scan3A_50 = arith.constant 0 : i32
      %scan3A_51 = arith.constant 8 : i32
      %scan3A_52 = arith.addi %scan3A_50, %scan3A_51 : i32
      %scan3A_53 = arith.constant 1 : i32
      scf.for %scan3A_55 = %scan3A_50 to %scan3A_52 step %scan3A_53  : i32 {
        %broadcast_in_dim3A = arith.constant 0.000000e+00 : f32
        %broadcast_in_dim3A_56 = vector.broadcast %broadcast_in_dim3A : f32 to vector<16xf32>
        %mul3A_57 = arith.constant 16 : i32
        %mul3A_58 = arith.muli %scan3A_55, %mul3A_57 : i32
        %swap3A = arith.index_cast %scan3A_49 : i32 to index
        %swap3A_59 = arith.index_cast %mul3A_58 : i32 to index
        %swap3A_60 = tpu.vector_load %arg8[%swap3A, %swap3A_59] {strides = array<i32>} : memref<80x128xf32, #tpu.memory_space<vmem>>, vector<1x16xf32>,
        %swap3A_61 = vector.shape_cast %swap3A_60 : vector<1x16xf32> to vector<16xf32>
        %swap3A_62 = vector.shape_cast %broadcast_in_dim3A_56 : vector<16xf32> to vector<1x16xf32>
        tpu.vector_store %arg8[%swap3A, %swap3A_59], %swap3A_62 {strides = array<i32>} : memref<80x128xf32, #tpu.memory_space<vmem>>, vector<1x16xf32>,
      }
      %scan3A_54 = arith.constant 8 : i32
    }
    %scan3A_5 = arith.constant 80 : i32
    %mul3A_6 = arith.constant 640 : i32
    %mul3A_7 = arith.muli %arg1, %mul3A_6 : i32
    %add3A_8 = arith.constant 0 : i32
    %add3A_9 = arith.addi %mul3A_7, %add3A_8 : i32
    "tpu.region"() ({
      %run_scoped3A = tpu.sem_alloc : memref<!tpu.dma_semaphore, #tpu.memory_space<semaphore_mem>>
      %dma_start3A = arith.constant 0 : i32
      %dma_start3A_49 = tpu.memref_slice %arg9[%add3A_9, %dma_start3A] : memref<10240x128xf32, #tpu.memory_space<vmem_shared>> -> memref<80x128xf32, #tpu.memory_space<vmem_shared>>
      %dma_start3A_50 = arith.constant 0 : i32
      %dma_start3A_51 = tpu.memref_slice %arg9[%add3A_9, %dma_start3A_50] : memref<10240x128xf32, #tpu.memory_space<vmem_shared>> -> memref<80x128xf32, #tpu.memory_space<vmem_shared>>
      tpu.enqueue_dma source(%arg8 : memref<80x128xf32, #tpu.memory_space<vmem>>) target(%dma_start3A_51 : memref<80x128xf32, #tpu.memory_space<vmem_shared>>) target_semaphore(%run_scoped3A : memref<!tpu.dma_semaphore, #tpu.memory_space<semaphore_mem>>)
      %dma_wait3A = arith.constant 0 : i32
      %dma_wait3A_52 = tpu.memref_slice %arg9[%add3A_9, %dma_wait3A] : memref<10240x128xf32, #tpu.memory_space<vmem_shared>> -> memref<80x128xf32, #tpu.memory_space<vmem_shared>>
      %dma_wait3A_53 = arith.constant 0 : i32
      %dma_wait3A_54 = tpu.memref_slice %arg9[%add3A_9, %dma_wait3A_53] : memref<10240x128xf32, #tpu.memory_space<vmem_shared>> -> memref<80x128xf32, #tpu.memory_space<vmem_shared>>
      tpu.wait_dma2 semaphore(%run_scoped3A : memref<!tpu.dma_semaphore, #tpu.memory_space<semaphore_mem>>) src(%arg8 : memref<80x128xf32, #tpu.memory_space<vmem>>) dst(%dma_wait3A_54 : memref<80x128xf32, #tpu.memory_space<vmem_shared>>)
      tpu.yield
    }) : () -> ()
    %mul3A_10 = arith.constant 640 : i32
    %mul3A_11 = arith.muli %arg1, %mul3A_10 : i32
    %add3A_12 = arith.constant 80 : i32
    %add3A_13 = arith.addi %mul3A_11, %add3A_12 : i32
    "tpu.region"() ({
      %run_scoped3A = tpu.sem_alloc : memref<!tpu.dma_semaphore, #tpu.memory_space<semaphore_mem>>
      %dma_start3A = arith.constant 0 : i32
      %dma_start3A_49 = tpu.memref_slice %arg9[%add3A_13, %dma_start3A] : memref<10240x128xf32, #tpu.memory_space<vmem_shared>> -> memref<80x128xf32, #tpu.memory_space<vmem_shared>>
      %dma_start3A_50 = arith.constant 0 : i32
      %dma_start3A_51 = tpu.memref_slice %arg9[%add3A_13, %dma_start3A_50] : memref<10240x128xf32, #tpu.memory_space<vmem_shared>> -> memref<80x128xf32, #tpu.memory_space<vmem_shared>>
      tpu.enqueue_dma source(%arg8 : memref<80x128xf32, #tpu.memory_space<vmem>>) target(%dma_start3A_51 : memref<80x128xf32, #tpu.memory_space<vmem_shared>>) target_semaphore(%run_scoped3A : memref<!tpu.dma_semaphore, #tpu.memory_space<semaphore_mem>>)
      %dma_wait3A = arith.constant 0 : i32
      %dma_wait3A_52 = tpu.memref_slice %arg9[%add3A_13, %dma_wait3A] : memref<10240x128xf32, #tpu.memory_space<vmem_shared>> -> memref<80x128xf32, #tpu.memory_space<vmem_shared>>
      %dma_wait3A_53 = arith.constant 0 : i32
      %dma_wait3A_54 = tpu.memref_slice %arg9[%add3A_13, %dma_wait3A_53] : memref<10240x128xf32, #tpu.memory_space<vmem_shared>> -> memref<80x128xf32, #tpu.memory_space<vmem_shared>>
      tpu.wait_dma2 semaphore(%run_scoped3A : memref<!tpu.dma_semaphore, #tpu.memory_space<semaphore_mem>>) src(%arg8 : memref<80x128xf32, #tpu.memory_space<vmem>>) dst(%dma_wait3A_54 : memref<80x128xf32, #tpu.memory_space<vmem_shared>>)
      tpu.yield
    }) : () -> ()
    %mul3A_14 = arith.constant 640 : i32
    %mul3A_15 = arith.muli %arg1, %mul3A_14 : i32
    %add3A_16 = arith.constant 160 : i32
    %add3A_17 = arith.addi %mul3A_15, %add3A_16 : i32
    "tpu.region"() ({
      %run_scoped3A = tpu.sem_alloc : memref<!tpu.dma_semaphore, #tpu.memory_space<semaphore_mem>>
      %dma_start3A = arith.constant 0 : i32
      %dma_start3A_49 = tpu.memref_slice %arg9[%add3A_17, %dma_start3A] : memref<10240x128xf32, #tpu.memory_space<vmem_shared>> -> memref<80x128xf32, #tpu.memory_space<vmem_shared>>
      %dma_start3A_50 = arith.constant 0 : i32
      %dma_start3A_51 = tpu.memref_slice %arg9[%add3A_17, %dma_start3A_50] : memref<10240x128xf32, #tpu.memory_space<vmem_shared>> -> memref<80x128xf32, #tpu.memory_space<vmem_shared>>
      tpu.enqueue_dma source(%arg8 : memref<80x128xf32, #tpu.memory_space<vmem>>) target(%dma_start3A_51 : memref<80x128xf32, #tpu.memory_space<vmem_shared>>) target_semaphore(%run_scoped3A : memref<!tpu.dma_semaphore, #tpu.memory_space<semaphore_mem>>)
      %dma_wait3A = arith.constant 0 : i32
      %dma_wait3A_52 = tpu.memref_slice %arg9[%add3A_17, %dma_wait3A] : memref<10240x128xf32, #tpu.memory_space<vmem_shared>> -> memref<80x128xf32, #tpu.memory_space<vmem_shared>>
      %dma_wait3A_53 = arith.constant 0 : i32
      %dma_wait3A_54 = tpu.memref_slice %arg9[%add3A_17, %dma_wait3A_53] : memref<10240x128xf32, #tpu.memory_space<vmem_shared>> -> memref<80x128xf32, #tpu.memory_space<vmem_shared>>
      tpu.wait_dma2 semaphore(%run_scoped3A : memref<!tpu.dma_semaphore, #tpu.memory_space<semaphore_mem>>) src(%arg8 : memref<80x128xf32, #tpu.memory_space<vmem>>) dst(%dma_wait3A_54 : memref<80x128xf32, #tpu.memory_space<vmem_shared>>)
      tpu.yield
    }) : () -> ()
    %mul3A_18 = arith.constant 640 : i32
    %mul3A_19 = arith.muli %arg1, %mul3A_18 : i32
    %add3A_20 = arith.constant 240 : i32
    %add3A_21 = arith.addi %mul3A_19, %add3A_20 : i32
    "tpu.region"() ({
      %run_scoped3A = tpu.sem_alloc : memref<!tpu.dma_semaphore, #tpu.memory_space<semaphore_mem>>
      %dma_start3A = arith.constant 0 : i32
      %dma_start3A_49 = tpu.memref_slice %arg9[%add3A_21, %dma_start3A] : memref<10240x128xf32, #tpu.memory_space<vmem_shared>> -> memref<80x128xf32, #tpu.memory_space<vmem_shared>>
      %dma_start3A_50 = arith.constant 0 : i32
      %dma_start3A_51 = tpu.memref_slice %arg9[%add3A_21, %dma_start3A_50] : memref<10240x128xf32, #tpu.memory_space<vmem_shared>> -> memref<80x128xf32, #tpu.memory_space<vmem_shared>>
      tpu.enqueue_dma source(%arg8 : memref<80x128xf32, #tpu.memory_space<vmem>>) target(%dma_start3A_51 : memref<80x128xf32, #tpu.memory_space<vmem_shared>>) target_semaphore(%run_scoped3A : memref<!tpu.dma_semaphore, #tpu.memory_space<semaphore_mem>>)
      %dma_wait3A = arith.constant 0 : i32
      %dma_wait3A_52 = tpu.memref_slice %arg9[%add3A_21, %dma_wait3A] : memref<10240x128xf32, #tpu.memory_space<vmem_shared>> -> memref<80x128xf32, #tpu.memory_space<vmem_shared>>
      %dma_wait3A_53 = arith.constant 0 : i32
      %dma_wait3A_54 = tpu.memref_slice %arg9[%add3A_21, %dma_wait3A_53] : memref<10240x128xf32, #tpu.memory_space<vmem_shared>> -> memref<80x128xf32, #tpu.memory_space<vmem_shared>>
      tpu.wait_dma2 semaphore(%run_scoped3A : memref<!tpu.dma_semaphore, #tpu.memory_space<semaphore_mem>>) src(%arg8 : memref<80x128xf32, #tpu.memory_space<vmem>>) dst(%dma_wait3A_54 : memref<80x128xf32, #tpu.memory_space<vmem_shared>>)
      tpu.yield
    }) : () -> ()
    %mul3A_22 = arith.constant 640 : i32
    %mul3A_23 = arith.muli %arg1, %mul3A_22 : i32
    %add3A_24 = arith.constant 320 : i32
    %add3A_25 = arith.addi %mul3A_23, %add3A_24 : i32
    "tpu.region"() ({
      %run_scoped3A = tpu.sem_alloc : memref<!tpu.dma_semaphore, #tpu.memory_space<semaphore_mem>>
      %dma_start3A = arith.constant 0 : i32
      %dma_start3A_49 = tpu.memref_slice %arg9[%add3A_25, %dma_start3A] : memref<10240x128xf32, #tpu.memory_space<vmem_shared>> -> memref<80x128xf32, #tpu.memory_space<vmem_shared>>
      %dma_start3A_50 = arith.constant 0 : i32
      %dma_start3A_51 = tpu.memref_slice %arg9[%add3A_25, %dma_start3A_50] : memref<10240x128xf32, #tpu.memory_space<vmem_shared>> -> memref<80x128xf32, #tpu.memory_space<vmem_shared>>
      tpu.enqueue_dma source(%arg8 : memref<80x128xf32, #tpu.memory_space<vmem>>) target(%dma_start3A_51 : memref<80x128xf32, #tpu.memory_space<vmem_shared>>) target_semaphore(%run_scoped3A : memref<!tpu.dma_semaphore, #tpu.memory_space<semaphore_mem>>)
      %dma_wait3A = arith.constant 0 : i32
      %dma_wait3A_52 = tpu.memref_slice %arg9[%add3A_25, %dma_wait3A] : memref<10240x128xf32, #tpu.memory_space<vmem_shared>> -> memref<80x128xf32, #tpu.memory_space<vmem_shared>>
      %dma_wait3A_53 = arith.constant 0 : i32
      %dma_wait3A_54 = tpu.memref_slice %arg9[%add3A_25, %dma_wait3A_53] : memref<10240x128xf32, #tpu.memory_space<vmem_shared>> -> memref<80x128xf32, #tpu.memory_space<vmem_shared>>
      tpu.wait_dma2 semaphore(%run_scoped3A : memref<!tpu.dma_semaphore, #tpu.memory_space<semaphore_mem>>) src(%arg8 : memref<80x128xf32, #tpu.memory_space<vmem>>) dst(%dma_wait3A_54 : memref<80x128xf32, #tpu.memory_space<vmem_shared>>)
      tpu.yield
    }) : () -> ()
    %mul3A_26 = arith.constant 640 : i32
    %mul3A_27 = arith.muli %arg1, %mul3A_26 : i32
    %add3A_28 = arith.constant 400 : i32
    %add3A_29 = arith.addi %mul3A_27, %add3A_28 : i32
    "tpu.region"() ({
      %run_scoped3A = tpu.sem_alloc : memref<!tpu.dma_semaphore, #tpu.memory_space<semaphore_mem>>
      %dma_start3A = arith.constant 0 : i32
      %dma_start3A_49 = tpu.memref_slice %arg9[%add3A_29, %dma_start3A] : memref<10240x128xf32, #tpu.memory_space<vmem_shared>> -> memref<80x128xf32, #tpu.memory_space<vmem_shared>>
      %dma_start3A_50 = arith.constant 0 : i32
      %dma_start3A_51 = tpu.memref_slice %arg9[%add3A_29, %dma_start3A_50] : memref<10240x128xf32, #tpu.memory_space<vmem_shared>> -> memref<80x128xf32, #tpu.memory_space<vmem_shared>>
      tpu.enqueue_dma source(%arg8 : memref<80x128xf32, #tpu.memory_space<vmem>>) target(%dma_start3A_51 : memref<80x128xf32, #tpu.memory_space<vmem_shared>>) target_semaphore(%run_scoped3A : memref<!tpu.dma_semaphore, #tpu.memory_space<semaphore_mem>>)
      %dma_wait3A = arith.constant 0 : i32
      %dma_wait3A_52 = tpu.memref_slice %arg9[%add3A_29, %dma_wait3A] : memref<10240x128xf32, #tpu.memory_space<vmem_shared>> -> memref<80x128xf32, #tpu.memory_space<vmem_shared>>
      %dma_wait3A_53 = arith.constant 0 : i32
      %dma_wait3A_54 = tpu.memref_slice %arg9[%add3A_29, %dma_wait3A_53] : memref<10240x128xf32, #tpu.memory_space<vmem_shared>> -> memref<80x128xf32, #tpu.memory_space<vmem_shared>>
      tpu.wait_dma2 semaphore(%run_scoped3A : memref<!tpu.dma_semaphore, #tpu.memory_space<semaphore_mem>>) src(%arg8 : memref<80x128xf32, #tpu.memory_space<vmem>>) dst(%dma_wait3A_54 : memref<80x128xf32, #tpu.memory_space<vmem_shared>>)
      tpu.yield
    }) : () -> ()
    %mul3A_30 = arith.constant 640 : i32
    %mul3A_31 = arith.muli %arg1, %mul3A_30 : i32
    %add3A_32 = arith.constant 480 : i32
    %add3A_33 = arith.addi %mul3A_31, %add3A_32 : i32
    "tpu.region"() ({
      %run_scoped3A = tpu.sem_alloc : memref<!tpu.dma_semaphore, #tpu.memory_space<semaphore_mem>>
      %dma_start3A = arith.constant 0 : i32
      %dma_start3A_49 = tpu.memref_slice %arg9[%add3A_33, %dma_start3A] : memref<10240x128xf32, #tpu.memory_space<vmem_shared>> -> memref<80x128xf32, #tpu.memory_space<vmem_shared>>
      %dma_start3A_50 = arith.constant 0 : i32
      %dma_start3A_51 = tpu.memref_slice %arg9[%add3A_33, %dma_start3A_50] : memref<10240x128xf32, #tpu.memory_space<vmem_shared>> -> memref<80x128xf32, #tpu.memory_space<vmem_shared>>
      tpu.enqueue_dma source(%arg8 : memref<80x128xf32, #tpu.memory_space<vmem>>) target(%dma_start3A_51 : memref<80x128xf32, #tpu.memory_space<vmem_shared>>) target_semaphore(%run_scoped3A : memref<!tpu.dma_semaphore, #tpu.memory_space<semaphore_mem>>)
      %dma_wait3A = arith.constant 0 : i32
      %dma_wait3A_52 = tpu.memref_slice %arg9[%add3A_33, %dma_wait3A] : memref<10240x128xf32, #tpu.memory_space<vmem_shared>> -> memref<80x128xf32, #tpu.memory_space<vmem_shared>>
      %dma_wait3A_53 = arith.constant 0 : i32
      %dma_wait3A_54 = tpu.memref_slice %arg9[%add3A_33, %dma_wait3A_53] : memref<10240x128xf32, #tpu.memory_space<vmem_shared>> -> memref<80x128xf32, #tpu.memory_space<vmem_shared>>
      tpu.wait_dma2 semaphore(%run_scoped3A : memref<!tpu.dma_semaphore, #tpu.memory_space<semaphore_mem>>) src(%arg8 : memref<80x128xf32, #tpu.memory_space<vmem>>) dst(%dma_wait3A_54 : memref<80x128xf32, #tpu.memory_space<vmem_shared>>)
      tpu.yield
    }) : () -> ()
    %mul3A_34 = arith.constant 640 : i32
    %mul3A_35 = arith.muli %arg1, %mul3A_34 : i32
    %add3A_36 = arith.constant 560 : i32
    %add3A_37 = arith.addi %mul3A_35, %add3A_36 : i32
    "tpu.region"() ({
      %run_scoped3A = tpu.sem_alloc : memref<!tpu.dma_semaphore, #tpu.memory_space<semaphore_mem>>
      %dma_start3A = arith.constant 0 : i32
      %dma_start3A_49 = tpu.memref_slice %arg9[%add3A_37, %dma_start3A] : memref<10240x128xf32, #tpu.memory_space<vmem_shared>> -> memref<80x128xf32, #tpu.memory_space<vmem_shared>>
      %dma_start3A_50 = arith.constant 0 : i32
      %dma_start3A_51 = tpu.memref_slice %arg9[%add3A_37, %dma_start3A_50] : memref<10240x128xf32, #tpu.memory_space<vmem_shared>> -> memref<80x128xf32, #tpu.memory_space<vmem_shared>>
      tpu.enqueue_dma source(%arg8 : memref<80x128xf32, #tpu.memory_space<vmem>>) target(%dma_start3A_51 : memref<80x128xf32, #tpu.memory_space<vmem_shared>>) target_semaphore(%run_scoped3A : memref<!tpu.dma_semaphore, #tpu.memory_space<semaphore_mem>>)
      %dma_wait3A = arith.constant 0 : i32
      %dma_wait3A_52 = tpu.memref_slice %arg9[%add3A_37, %dma_wait3A] : memref<10240x128xf32, #tpu.memory_space<vmem_shared>> -> memref<80x128xf32, #tpu.memory_space<vmem_shared>>
      %dma_wait3A_53 = arith.constant 0 : i32
      %dma_wait3A_54 = tpu.memref_slice %arg9[%add3A_37, %dma_wait3A_53] : memref<10240x128xf32, #tpu.memory_space<vmem_shared>> -> memref<80x128xf32, #tpu.memory_space<vmem_shared>>
      tpu.wait_dma2 semaphore(%run_scoped3A : memref<!tpu.dma_semaphore, #tpu.memory_space<semaphore_mem>>) src(%arg8 : memref<80x128xf32, #tpu.memory_space<vmem>>) dst(%dma_wait3A_54 : memref<80x128xf32, #tpu.memory_space<vmem_shared>>)
      tpu.yield
    }) : () -> ()
    %barrier3A = arith.constant 0 : index
    tpu.barrier barrier_id(%barrier3A)
    "tpu.region"() ({
      %run_scoped3A = tpu.sem_alloc : memref<!tpu.dma_semaphore, #tpu.memory_space<semaphore_mem>>
      %dma_start3A = arith.constant 0 : i32
      %dma_start3A_49 = arith.constant 0 : i32
      %dma_start3A_50 = tpu.memref_slice %arg3[%add3A, %dma_start3A, %dma_start3A_49] : memref<32x125x80xi32, #tpu.memory_space<hbm>> -> memref<1x125x80xi32, #tpu.memory_space<hbm>>
      %dma_start3A_51 = tpu.memref_squeeze %dma_start3A_50 : memref<1x125x80xi32, #tpu.memory_space<hbm>> -> memref<125x80xi32, #tpu.memory_space<hbm>>
      %dma_start3A_52 = arith.constant 0 : i32
      %dma_start3A_53 = arith.constant 0 : i32
      %dma_start3A_54 = tpu.memref_slice %arg3[%add3A, %dma_start3A_52, %dma_start3A_53] : memref<32x125x80xi32, #tpu.memory_space<hbm>> -> memref<1x125x80xi32, #tpu.memory_space<hbm>>
      %dma_start3A_55 = tpu.memref_squeeze %dma_start3A_54 : memref<1x125x80xi32, #tpu.memory_space<hbm>> -> memref<125x80xi32, #tpu.memory_space<hbm>>
      tpu.enqueue_dma source(%dma_start3A_55 : memref<125x80xi32, #tpu.memory_space<hbm>>) target(%arg6 : memref<125x80xi32, #tpu.memory_space<vmem>>) target_semaphore(%run_scoped3A : memref<!tpu.dma_semaphore, #tpu.memory_space<semaphore_mem>>)
      %dma_wait3A = arith.constant 0 : i32
      %dma_wait3A_56 = arith.constant 0 : i32
      %dma_wait3A_57 = tpu.memref_slice %arg3[%add3A, %dma_wait3A, %dma_wait3A_56] : memref<32x125x80xi32, #tpu.memory_space<hbm>> -> memref<1x125x80xi32, #tpu.memory_space<hbm>>
      %dma_wait3A_58 = tpu.memref_squeeze %dma_wait3A_57 : memref<1x125x80xi32, #tpu.memory_space<hbm>> -> memref<125x80xi32, #tpu.memory_space<hbm>>
      %dma_wait3A_59 = arith.constant 0 : i32
      %dma_wait3A_60 = arith.constant 0 : i32
      %dma_wait3A_61 = tpu.memref_slice %arg3[%add3A, %dma_wait3A_59, %dma_wait3A_60] : memref<32x125x80xi32, #tpu.memory_space<hbm>> -> memref<1x125x80xi32, #tpu.memory_space<hbm>>
      %dma_wait3A_62 = tpu.memref_squeeze %dma_wait3A_61 : memref<1x125x80xi32, #tpu.memory_space<hbm>> -> memref<125x80xi32, #tpu.memory_space<hbm>>
      tpu.wait_dma2 semaphore(%run_scoped3A : memref<!tpu.dma_semaphore, #tpu.memory_space<semaphore_mem>>) src(%dma_wait3A_62 : memref<125x80xi32, #tpu.memory_space<hbm>>) dst(%arg6 : memref<125x80xi32, #tpu.memory_space<vmem>>)
      tpu.yield
    }) : () -> ()
    "tpu.region"() ({
      %run_scoped3A = tpu.sem_alloc : memref<!tpu.dma_semaphore, #tpu.memory_space<semaphore_mem>>
      %dma_start3A = arith.constant 0 : i32
      %dma_start3A_49 = arith.constant 0 : i32
      %dma_start3A_50 = tpu.memref_slice %arg4[%add3A, %dma_start3A, %dma_start3A_49] : memref<32x125x80xi32, #tpu.memory_space<hbm>> -> memref<1x125x80xi32, #tpu.memory_space<hbm>>
      %dma_start3A_51 = tpu.memref_squeeze %dma_start3A_50 : memref<1x125x80xi32, #tpu.memory_space<hbm>> -> memref<125x80xi32, #tpu.memory_space<hbm>>
      %dma_start3A_52 = arith.constant 0 : i32
      %dma_start3A_53 = arith.constant 0 : i32
      %dma_start3A_54 = tpu.memref_slice %arg4[%add3A, %dma_start3A_52, %dma_start3A_53] : memref<32x125x80xi32, #tpu.memory_space<hbm>> -> memref<1x125x80xi32, #tpu.memory_space<hbm>>
      %dma_start3A_55 = tpu.memref_squeeze %dma_start3A_54 : memref<1x125x80xi32, #tpu.memory_space<hbm>> -> memref<125x80xi32, #tpu.memory_space<hbm>>
      tpu.enqueue_dma source(%dma_start3A_55 : memref<125x80xi32, #tpu.memory_space<hbm>>) target(%arg7 : memref<125x80xi32, #tpu.memory_space<vmem>>) target_semaphore(%run_scoped3A : memref<!tpu.dma_semaphore, #tpu.memory_space<semaphore_mem>>)
      %dma_wait3A = arith.constant 0 : i32
      %dma_wait3A_56 = arith.constant 0 : i32
      %dma_wait3A_57 = tpu.memref_slice %arg4[%add3A, %dma_wait3A, %dma_wait3A_56] : memref<32x125x80xi32, #tpu.memory_space<hbm>> -> memref<1x125x80xi32, #tpu.memory_space<hbm>>
      %dma_wait3A_58 = tpu.memref_squeeze %dma_wait3A_57 : memref<1x125x80xi32, #tpu.memory_space<hbm>> -> memref<125x80xi32, #tpu.memory_space<hbm>>
      %dma_wait3A_59 = arith.constant 0 : i32
      %dma_wait3A_60 = arith.constant 0 : i32
      %dma_wait3A_61 = tpu.memref_slice %arg4[%add3A, %dma_wait3A_59, %dma_wait3A_60] : memref<32x125x80xi32, #tpu.memory_space<hbm>> -> memref<1x125x80xi32, #tpu.memory_space<hbm>>
      %dma_wait3A_62 = tpu.memref_squeeze %dma_wait3A_61 : memref<1x125x80xi32, #tpu.memory_space<hbm>> -> memref<125x80xi32, #tpu.memory_space<hbm>>
      tpu.wait_dma2 semaphore(%run_scoped3A : memref<!tpu.dma_semaphore, #tpu.memory_space<semaphore_mem>>) src(%dma_wait3A_62 : memref<125x80xi32, #tpu.memory_space<hbm>>) dst(%arg7 : memref<125x80xi32, #tpu.memory_space<vmem>>)
      tpu.yield
    }) : () -> ()
    %scan3A_38 = arith.constant 0 : i32
    %scan3A_39 = arith.constant 0 : i32
    %scan3A_40 = arith.constant 125 : i32
    %scan3A_41 = arith.addi %scan3A_39, %scan3A_40 : i32
    %scan3A_42 = arith.constant 1 : i32
    scf.for %scan3A_49 = %scan3A_39 to %scan3A_41 step %scan3A_42  : i32 {
      %dma_start3A = arith.constant 0 : i32
      %dma_start3A_50 = tpu.memref_slice %arg6[%scan3A_49, %dma_start3A] : memref<125x80xi32, #tpu.memory_space<vmem>> -> memref<1x80xi32, #tpu.memory_space<vmem>>
      %dma_start3A_51 = tpu.memref_squeeze %dma_start3A_50 : memref<1x80xi32, #tpu.memory_space<vmem>> -> memref<80xi32, #tpu.memory_space<vmem>>
      %dma_start3A_52 = arith.constant 0 : i32
      %dma_start3A_53 = arith.constant 0 : i32
      %dma_start3A_54 = tpu.memref_slice %arg2[%dma_start3A_52, %dma_start3A_53] : memref<10000x128xf32, #tpu.memory_space<hbm>> -> memref<10000x128xf32, #tpu.memory_space<hbm>>
      tpu.enqueue_indirect_dma source(%dma_start3A_54 : memref<10000x128xf32, #tpu.memory_space<hbm>>) target(%arg8 : memref<80x128xf32, #tpu.memory_space<vmem>>) offsets(%dma_start3A_51 : memref<80xi32, #tpu.memory_space<vmem>>) semaphore(%arg10 : memref<!tpu.dma_semaphore, #tpu.memory_space<semaphore_mem>>)
      %dma_wait3A = arith.constant 0 : i32
      %dma_wait3A_55 = tpu.memref_slice %arg6[%scan3A_49, %dma_wait3A] : memref<125x80xi32, #tpu.memory_space<vmem>> -> memref<1x80xi32, #tpu.memory_space<vmem>>
      %dma_wait3A_56 = tpu.memref_squeeze %dma_wait3A_55 : memref<1x80xi32, #tpu.memory_space<vmem>> -> memref<80xi32, #tpu.memory_space<vmem>>
      %dma_wait3A_57 = arith.constant 0 : i32
      %dma_wait3A_58 = arith.constant 0 : i32
      %dma_wait3A_59 = tpu.memref_slice %arg2[%dma_wait3A_57, %dma_wait3A_58] : memref<10000x128xf32, #tpu.memory_space<hbm>> -> memref<10000x128xf32, #tpu.memory_space<hbm>>
      tpu.wait_indirect_dma semaphore(%arg10 : memref<!tpu.dma_semaphore, #tpu.memory_space<semaphore_mem>>) src(%dma_wait3A_59 : memref<10000x128xf32, #tpu.memory_space<hbm>>) dst(%arg8 : memref<80x128xf32, #tpu.memory_space<vmem>>)
      "tpu.region"() ({
        %run_scoped3A = tpu.sem_alloc : memref<!tpu.dma_semaphore, #tpu.memory_space<semaphore_mem>>
        %dma_start3A_60 = arith.constant 0 : i32
        %dma_start3A_61 = tpu.memref_slice %arg7[%scan3A_49, %dma_start3A_60] : memref<125x80xi32, #tpu.memory_space<vmem>> -> memref<1x80xi32, #tpu.memory_space<vmem>>
        %dma_start3A_62 = tpu.memref_squeeze %dma_start3A_61 : memref<1x80xi32, #tpu.memory_space<vmem>> -> memref<80xi32, #tpu.memory_space<vmem>>
        %dma_start3A_63 = arith.constant 0 : i32
        %dma_start3A_64 = arith.constant 0 : i32
        %dma_start3A_65 = tpu.memref_slice %arg9[%dma_start3A_63, %dma_start3A_64] : memref<10240x128xf32, #tpu.memory_space<vmem_shared>> -> memref<10240x128xf32, #tpu.memory_space<vmem_shared>>
        tpu.enqueue_indirect_dma source(%arg8 : memref<80x128xf32, #tpu.memory_space<vmem>>) target(%dma_start3A_65 : memref<10240x128xf32, #tpu.memory_space<vmem_shared>>) offsets(%dma_start3A_62 : memref<80xi32, #tpu.memory_space<vmem>>) semaphore(%run_scoped3A : memref<!tpu.dma_semaphore, #tpu.memory_space<semaphore_mem>>) {add = true}
        %dma_wait3A_66 = arith.constant 0 : i32
        %dma_wait3A_67 = tpu.memref_slice %arg7[%scan3A_49, %dma_wait3A_66] : memref<125x80xi32, #tpu.memory_space<vmem>> -> memref<1x80xi32, #tpu.memory_space<vmem>>
        %dma_wait3A_68 = tpu.memref_squeeze %dma_wait3A_67 : memref<1x80xi32, #tpu.memory_space<vmem>> -> memref<80xi32, #tpu.memory_space<vmem>>
        %dma_wait3A_69 = arith.constant 0 : i32
        %dma_wait3A_70 = arith.constant 0 : i32
        %dma_wait3A_71 = tpu.memref_slice %arg9[%dma_wait3A_69, %dma_wait3A_70] : memref<10240x128xf32, #tpu.memory_space<vmem_shared>> -> memref<10240x128xf32, #tpu.memory_space<vmem_shared>>
        tpu.wait_indirect_dma semaphore(%run_scoped3A : memref<!tpu.dma_semaphore, #tpu.memory_space<semaphore_mem>>) src(%arg8 : memref<80x128xf32, #tpu.memory_space<vmem>>) dst(%dma_wait3A_71 : memref<10240x128xf32, #tpu.memory_space<vmem_shared>>)
        tpu.yield
      }) : () -> ()
    }
    %scan3A_43 = arith.constant 125 : i32
    %barrier3A_44 = arith.constant 0 : index
    tpu.barrier barrier_id(%barrier3A_44)
    %mul3A_45 = arith.constant 640 : i32
    %mul3A_46 = arith.muli %arg1, %mul3A_45 : i32
    %mul3A_47 = arith.constant 640 : i32
    %mul3A_48 = arith.muli %arg1, %mul3A_47 : i32
    "tpu.region"() ({
      %run_scoped3A = tpu.sem_alloc : memref<!tpu.dma_semaphore, #tpu.memory_space<semaphore_mem>>
      %dma_start3A = arith.constant 0 : i32
      %dma_start3A_49 = tpu.memref_slice %arg5[%arg0, %mul3A_48, %dma_start3A] : memref<2x10240x128xf32, #tpu.memory_space<hbm>> -> memref<1x640x128xf32, #tpu.memory_space<hbm>>
      %dma_start3A_50 = tpu.memref_squeeze %dma_start3A_49 : memref<1x640x128xf32, #tpu.memory_space<hbm>> -> memref<640x128xf32, #tpu.memory_space<hbm>>
      %dma_start3A_51 = arith.constant 0 : i32
      %dma_start3A_52 = tpu.memref_slice %arg9[%mul3A_46, %dma_start3A_51] : memref<10240x128xf32, #tpu.memory_space<vmem_shared>> -> memref<640x128xf32, #tpu.memory_space<vmem_shared>>
      tpu.enqueue_dma source(%dma_start3A_52 : memref<640x128xf32, #tpu.memory_space<vmem_shared>>) target(%dma_start3A_50 : memref<640x128xf32, #tpu.memory_space<hbm>>) target_semaphore(%run_scoped3A : memref<!tpu.dma_semaphore, #tpu.memory_space<semaphore_mem>>)
      %dma_wait3A = arith.constant 0 : i32
      %dma_wait3A_53 = tpu.memref_slice %arg5[%arg0, %mul3A_48, %dma_wait3A] : memref<2x10240x128xf32, #tpu.memory_space<hbm>> -> memref<1x640x128xf32, #tpu.memory_space<hbm>>
      %dma_wait3A_54 = tpu.memref_squeeze %dma_wait3A_53 : memref<1x640x128xf32, #tpu.memory_space<hbm>> -> memref<640x128xf32, #tpu.memory_space<hbm>>
      %dma_wait3A_55 = arith.constant 0 : i32
      %dma_wait3A_56 = tpu.memref_slice %arg9[%mul3A_46, %dma_wait3A_55] : memref<10240x128xf32, #tpu.memory_space<vmem_shared>> -> memref<640x128xf32, #tpu.memory_space<vmem_shared>>
      tpu.wait_dma2 semaphore(%run_scoped3A : memref<!tpu.dma_semaphore, #tpu.memory_space<semaphore_mem>>) src(%dma_wait3A_56 : memref<640x128xf32, #tpu.memory_space<vmem_shared>>) dst(%dma_wait3A_54 : memref<640x128xf32, #tpu.memory_space<hbm>>)
      tpu.yield
    }) : () -> ()
    return
  }
}

#map = affine_map<(d0, d1) -> (0, 0)>
#map1 = affine_map<(d0, d1) -> (0, 0, 0)>
module attributes {stable_mosaic.version = 14 : i64} {
  func.func @_agg_body(%arg0: i32, %arg1: i32, %arg2: memref<10000x128xf32, #tpu.memory_space<hbm>>, %arg3: memref<32x125x80xi32, #tpu.memory_space<hbm>>, %arg4: memref<32x125x80xi32, #tpu.memory_space<hbm>>, %arg5: memref<2x10240x128xf32, #tpu.memory_space<hbm>>, %arg6: memref<125x80xi32, #tpu.memory_space<vmem>>, %arg7: memref<125x80xi32, #tpu.memory_space<vmem>>, %arg8: memref<80x128xf32, #tpu.memory_space<vmem>>, %arg9: memref<10240x128xf32, #tpu.memory_space<vmem_shared>>, %arg10: memref<!tpu.dma_semaphore, #tpu.memory_space<semaphore_mem>>) attributes {dimension_semantics = [#tpu.dimension_semantics<core_parallel>, #tpu.dimension_semantics<subcore_parallel>], iteration_bounds = array<i64: 2, 16>, scalar_prefetch = 0 : i64, scratch_operands = 5 : i64, tpu.core_type = #tpu.core_type<sc_vector_subcore>, window_params = [{transform_indices = #map}, {transform_indices = #map1}, {transform_indices = #map1}, {transform_indices = #map1}]} {
    %mul3A = arith.constant 16 : i32
    %mul3A_0 = arith.muli %arg0, %mul3A : i32
    %add3A = arith.addi %mul3A_0, %arg1 : i32
    %scan3A = arith.constant 0 : i32
    %scan3A_1 = arith.constant 0 : i32
    %scan3A_2 = arith.constant 80 : i32
    %scan3A_3 = arith.addi %scan3A_1, %scan3A_2 : i32
    %scan3A_4 = arith.constant 1 : i32
    scf.for %scan3A_49 = %scan3A_1 to %scan3A_3 step %scan3A_4  : i32 {
      %scan3A_50 = arith.constant 0 : i32
      %scan3A_51 = arith.constant 8 : i32
      %scan3A_52 = arith.addi %scan3A_50, %scan3A_51 : i32
      %scan3A_53 = arith.constant 1 : i32
      scf.for %scan3A_55 = %scan3A_50 to %scan3A_52 step %scan3A_53  : i32 {
        %broadcast_in_dim3A = arith.constant 0.000000e+00 : f32
        %broadcast_in_dim3A_56 = vector.broadcast %broadcast_in_dim3A : f32 to vector<16xf32>
        %mul3A_57 = arith.constant 16 : i32
        %mul3A_58 = arith.muli %scan3A_55, %mul3A_57 : i32
        %swap3A = arith.index_cast %scan3A_49 : i32 to index
        %swap3A_59 = arith.index_cast %mul3A_58 : i32 to index
        %swap3A_60 = tpu.vector_load %arg8[%swap3A, %swap3A_59] {strides = array<i32>} : memref<80x128xf32, #tpu.memory_space<vmem>>, vector<1x16xf32>,
        %swap3A_61 = vector.shape_cast %swap3A_60 : vector<1x16xf32> to vector<16xf32>
        %swap3A_62 = vector.shape_cast %broadcast_in_dim3A_56 : vector<16xf32> to vector<1x16xf32>
        tpu.vector_store %arg8[%swap3A, %swap3A_59], %swap3A_62 {strides = array<i32>} : memref<80x128xf32, #tpu.memory_space<vmem>>, vector<1x16xf32>,
      }
      %scan3A_54 = arith.constant 8 : i32
    }
    %scan3A_5 = arith.constant 80 : i32
    %mul3A_6 = arith.constant 640 : i32
    %mul3A_7 = arith.muli %arg1, %mul3A_6 : i32
    %add3A_8 = arith.constant 0 : i32
    %add3A_9 = arith.addi %mul3A_7, %add3A_8 : i32
    "tpu.region"() ({
      %run_scoped3A = tpu.sem_alloc : memref<!tpu.dma_semaphore, #tpu.memory_space<semaphore_mem>>
      %dma_start3A = arith.constant 0 : i32
      %dma_start3A_49 = tpu.memref_slice %arg9[%add3A_9, %dma_start3A] : memref<10240x128xf32, #tpu.memory_space<vmem_shared>> -> memref<80x128xf32, #tpu.memory_space<vmem_shared>>
      %dma_start3A_50 = arith.constant 0 : i32
      %dma_start3A_51 = tpu.memref_slice %arg9[%add3A_9, %dma_start3A_50] : memref<10240x128xf32, #tpu.memory_space<vmem_shared>> -> memref<80x128xf32, #tpu.memory_space<vmem_shared>>
      tpu.enqueue_dma source(%arg8 : memref<80x128xf32, #tpu.memory_space<vmem>>) target(%dma_start3A_51 : memref<80x128xf32, #tpu.memory_space<vmem_shared>>) target_semaphore(%run_scoped3A : memref<!tpu.dma_semaphore, #tpu.memory_space<semaphore_mem>>)
      %dma_wait3A = arith.constant 0 : i32
      %dma_wait3A_52 = tpu.memref_slice %arg9[%add3A_9, %dma_wait3A] : memref<10240x128xf32, #tpu.memory_space<vmem_shared>> -> memref<80x128xf32, #tpu.memory_space<vmem_shared>>
      %dma_wait3A_53 = arith.constant 0 : i32
      %dma_wait3A_54 = tpu.memref_slice %arg9[%add3A_9, %dma_wait3A_53] : memref<10240x128xf32, #tpu.memory_space<vmem_shared>> -> memref<80x128xf32, #tpu.memory_space<vmem_shared>>
      tpu.wait_dma2 semaphore(%run_scoped3A : memref<!tpu.dma_semaphore, #tpu.memory_space<semaphore_mem>>) src(%arg8 : memref<80x128xf32, #tpu.memory_space<vmem>>) dst(%dma_wait3A_54 : memref<80x128xf32, #tpu.memory_space<vmem_shared>>)
      tpu.yield
    }) : () -> ()
    %mul3A_10 = arith.constant 640 : i32
    %mul3A_11 = arith.muli %arg1, %mul3A_10 : i32
    %add3A_12 = arith.constant 80 : i32
    %add3A_13 = arith.addi %mul3A_11, %add3A_12 : i32
    "tpu.region"() ({
      %run_scoped3A = tpu.sem_alloc : memref<!tpu.dma_semaphore, #tpu.memory_space<semaphore_mem>>
      %dma_start3A = arith.constant 0 : i32
      %dma_start3A_49 = tpu.memref_slice %arg9[%add3A_13, %dma_start3A] : memref<10240x128xf32, #tpu.memory_space<vmem_shared>> -> memref<80x128xf32, #tpu.memory_space<vmem_shared>>
      %dma_start3A_50 = arith.constant 0 : i32
      %dma_start3A_51 = tpu.memref_slice %arg9[%add3A_13, %dma_start3A_50] : memref<10240x128xf32, #tpu.memory_space<vmem_shared>> -> memref<80x128xf32, #tpu.memory_space<vmem_shared>>
      tpu.enqueue_dma source(%arg8 : memref<80x128xf32, #tpu.memory_space<vmem>>) target(%dma_start3A_51 : memref<80x128xf32, #tpu.memory_space<vmem_shared>>) target_semaphore(%run_scoped3A : memref<!tpu.dma_semaphore, #tpu.memory_space<semaphore_mem>>)
      %dma_wait3A = arith.constant 0 : i32
      %dma_wait3A_52 = tpu.memref_slice %arg9[%add3A_13, %dma_wait3A] : memref<10240x128xf32, #tpu.memory_space<vmem_shared>> -> memref<80x128xf32, #tpu.memory_space<vmem_shared>>
      %dma_wait3A_53 = arith.constant 0 : i32
      %dma_wait3A_54 = tpu.memref_slice %arg9[%add3A_13, %dma_wait3A_53] : memref<10240x128xf32, #tpu.memory_space<vmem_shared>> -> memref<80x128xf32, #tpu.memory_space<vmem_shared>>
      tpu.wait_dma2 semaphore(%run_scoped3A : memref<!tpu.dma_semaphore, #tpu.memory_space<semaphore_mem>>) src(%arg8 : memref<80x128xf32, #tpu.memory_space<vmem>>) dst(%dma_wait3A_54 : memref<80x128xf32, #tpu.memory_space<vmem_shared>>)
      tpu.yield
    }) : () -> ()
    %mul3A_14 = arith.constant 640 : i32
    %mul3A_15 = arith.muli %arg1, %mul3A_14 : i32
    %add3A_16 = arith.constant 160 : i32
    %add3A_17 = arith.addi %mul3A_15, %add3A_16 : i32
    "tpu.region"() ({
      %run_scoped3A = tpu.sem_alloc : memref<!tpu.dma_semaphore, #tpu.memory_space<semaphore_mem>>
      %dma_start3A = arith.constant 0 : i32
      %dma_start3A_49 = tpu.memref_slice %arg9[%add3A_17, %dma_start3A] : memref<10240x128xf32, #tpu.memory_space<vmem_shared>> -> memref<80x128xf32, #tpu.memory_space<vmem_shared>>
      %dma_start3A_50 = arith.constant 0 : i32
      %dma_start3A_51 = tpu.memref_slice %arg9[%add3A_17, %dma_start3A_50] : memref<10240x128xf32, #tpu.memory_space<vmem_shared>> -> memref<80x128xf32, #tpu.memory_space<vmem_shared>>
      tpu.enqueue_dma source(%arg8 : memref<80x128xf32, #tpu.memory_space<vmem>>) target(%dma_start3A_51 : memref<80x128xf32, #tpu.memory_space<vmem_shared>>) target_semaphore(%run_scoped3A : memref<!tpu.dma_semaphore, #tpu.memory_space<semaphore_mem>>)
      %dma_wait3A = arith.constant 0 : i32
      %dma_wait3A_52 = tpu.memref_slice %arg9[%add3A_17, %dma_wait3A] : memref<10240x128xf32, #tpu.memory_space<vmem_shared>> -> memref<80x128xf32, #tpu.memory_space<vmem_shared>>
      %dma_wait3A_53 = arith.constant 0 : i32
      %dma_wait3A_54 = tpu.memref_slice %arg9[%add3A_17, %dma_wait3A_53] : memref<10240x128xf32, #tpu.memory_space<vmem_shared>> -> memref<80x128xf32, #tpu.memory_space<vmem_shared>>
      tpu.wait_dma2 semaphore(%run_scoped3A : memref<!tpu.dma_semaphore, #tpu.memory_space<semaphore_mem>>) src(%arg8 : memref<80x128xf32, #tpu.memory_space<vmem>>) dst(%dma_wait3A_54 : memref<80x128xf32, #tpu.memory_space<vmem_shared>>)
      tpu.yield
    }) : () -> ()
    %mul3A_18 = arith.constant 640 : i32
    %mul3A_19 = arith.muli %arg1, %mul3A_18 : i32
    %add3A_20 = arith.constant 240 : i32
    %add3A_21 = arith.addi %mul3A_19, %add3A_20 : i32
    "tpu.region"() ({
      %run_scoped3A = tpu.sem_alloc : memref<!tpu.dma_semaphore, #tpu.memory_space<semaphore_mem>>
      %dma_start3A = arith.constant 0 : i32
      %dma_start3A_49 = tpu.memref_slice %arg9[%add3A_21, %dma_start3A] : memref<10240x128xf32, #tpu.memory_space<vmem_shared>> -> memref<80x128xf32, #tpu.memory_space<vmem_shared>>
      %dma_start3A_50 = arith.constant 0 : i32
      %dma_start3A_51 = tpu.memref_slice %arg9[%add3A_21, %dma_start3A_50] : memref<10240x128xf32, #tpu.memory_space<vmem_shared>> -> memref<80x128xf32, #tpu.memory_space<vmem_shared>>
      tpu.enqueue_dma source(%arg8 : memref<80x128xf32, #tpu.memory_space<vmem>>) target(%dma_start3A_51 : memref<80x128xf32, #tpu.memory_space<vmem_shared>>) target_semaphore(%run_scoped3A : memref<!tpu.dma_semaphore, #tpu.memory_space<semaphore_mem>>)
      %dma_wait3A = arith.constant 0 : i32
      %dma_wait3A_52 = tpu.memref_slice %arg9[%add3A_21, %dma_wait3A] : memref<10240x128xf32, #tpu.memory_space<vmem_shared>> -> memref<80x128xf32, #tpu.memory_space<vmem_shared>>
      %dma_wait3A_53 = arith.constant 0 : i32
      %dma_wait3A_54 = tpu.memref_slice %arg9[%add3A_21, %dma_wait3A_53] : memref<10240x128xf32, #tpu.memory_space<vmem_shared>> -> memref<80x128xf32, #tpu.memory_space<vmem_shared>>
      tpu.wait_dma2 semaphore(%run_scoped3A : memref<!tpu.dma_semaphore, #tpu.memory_space<semaphore_mem>>) src(%arg8 : memref<80x128xf32, #tpu.memory_space<vmem>>) dst(%dma_wait3A_54 : memref<80x128xf32, #tpu.memory_space<vmem_shared>>)
      tpu.yield
    }) : () -> ()
    %mul3A_22 = arith.constant 640 : i32
    %mul3A_23 = arith.muli %arg1, %mul3A_22 : i32
    %add3A_24 = arith.constant 320 : i32
    %add3A_25 = arith.addi %mul3A_23, %add3A_24 : i32
    "tpu.region"() ({
      %run_scoped3A = tpu.sem_alloc : memref<!tpu.dma_semaphore, #tpu.memory_space<semaphore_mem>>
      %dma_start3A = arith.constant 0 : i32
      %dma_start3A_49 = tpu.memref_slice %arg9[%add3A_25, %dma_start3A] : memref<10240x128xf32, #tpu.memory_space<vmem_shared>> -> memref<80x128xf32, #tpu.memory_space<vmem_shared>>
      %dma_start3A_50 = arith.constant 0 : i32
      %dma_start3A_51 = tpu.memref_slice %arg9[%add3A_25, %dma_start3A_50] : memref<10240x128xf32, #tpu.memory_space<vmem_shared>> -> memref<80x128xf32, #tpu.memory_space<vmem_shared>>
      tpu.enqueue_dma source(%arg8 : memref<80x128xf32, #tpu.memory_space<vmem>>) target(%dma_start3A_51 : memref<80x128xf32, #tpu.memory_space<vmem_shared>>) target_semaphore(%run_scoped3A : memref<!tpu.dma_semaphore, #tpu.memory_space<semaphore_mem>>)
      %dma_wait3A = arith.constant 0 : i32
      %dma_wait3A_52 = tpu.memref_slice %arg9[%add3A_25, %dma_wait3A] : memref<10240x128xf32, #tpu.memory_space<vmem_shared>> -> memref<80x128xf32, #tpu.memory_space<vmem_shared>>
      %dma_wait3A_53 = arith.constant 0 : i32
      %dma_wait3A_54 = tpu.memref_slice %arg9[%add3A_25, %dma_wait3A_53] : memref<10240x128xf32, #tpu.memory_space<vmem_shared>> -> memref<80x128xf32, #tpu.memory_space<vmem_shared>>
      tpu.wait_dma2 semaphore(%run_scoped3A : memref<!tpu.dma_semaphore, #tpu.memory_space<semaphore_mem>>) src(%arg8 : memref<80x128xf32, #tpu.memory_space<vmem>>) dst(%dma_wait3A_54 : memref<80x128xf32, #tpu.memory_space<vmem_shared>>)
      tpu.yield
    }) : () -> ()
    %mul3A_26 = arith.constant 640 : i32
    %mul3A_27 = arith.muli %arg1, %mul3A_26 : i32
    %add3A_28 = arith.constant 400 : i32
    %add3A_29 = arith.addi %mul3A_27, %add3A_28 : i32
    "tpu.region"() ({
      %run_scoped3A = tpu.sem_alloc : memref<!tpu.dma_semaphore, #tpu.memory_space<semaphore_mem>>
      %dma_start3A = arith.constant 0 : i32
      %dma_start3A_49 = tpu.memref_slice %arg9[%add3A_29, %dma_start3A] : memref<10240x128xf32, #tpu.memory_space<vmem_shared>> -> memref<80x128xf32, #tpu.memory_space<vmem_shared>>
      %dma_start3A_50 = arith.constant 0 : i32
      %dma_start3A_51 = tpu.memref_slice %arg9[%add3A_29, %dma_start3A_50] : memref<10240x128xf32, #tpu.memory_space<vmem_shared>> -> memref<80x128xf32, #tpu.memory_space<vmem_shared>>
      tpu.enqueue_dma source(%arg8 : memref<80x128xf32, #tpu.memory_space<vmem>>) target(%dma_start3A_51 : memref<80x128xf32, #tpu.memory_space<vmem_shared>>) target_semaphore(%run_scoped3A : memref<!tpu.dma_semaphore, #tpu.memory_space<semaphore_mem>>)
      %dma_wait3A = arith.constant 0 : i32
      %dma_wait3A_52 = tpu.memref_slice %arg9[%add3A_29, %dma_wait3A] : memref<10240x128xf32, #tpu.memory_space<vmem_shared>> -> memref<80x128xf32, #tpu.memory_space<vmem_shared>>
      %dma_wait3A_53 = arith.constant 0 : i32
      %dma_wait3A_54 = tpu.memref_slice %arg9[%add3A_29, %dma_wait3A_53] : memref<10240x128xf32, #tpu.memory_space<vmem_shared>> -> memref<80x128xf32, #tpu.memory_space<vmem_shared>>
      tpu.wait_dma2 semaphore(%run_scoped3A : memref<!tpu.dma_semaphore, #tpu.memory_space<semaphore_mem>>) src(%arg8 : memref<80x128xf32, #tpu.memory_space<vmem>>) dst(%dma_wait3A_54 : memref<80x128xf32, #tpu.memory_space<vmem_shared>>)
      tpu.yield
    }) : () -> ()
    %mul3A_30 = arith.constant 640 : i32
    %mul3A_31 = arith.muli %arg1, %mul3A_30 : i32
    %add3A_32 = arith.constant 480 : i32
    %add3A_33 = arith.addi %mul3A_31, %add3A_32 : i32
    "tpu.region"() ({
      %run_scoped3A = tpu.sem_alloc : memref<!tpu.dma_semaphore, #tpu.memory_space<semaphore_mem>>
      %dma_start3A = arith.constant 0 : i32
      %dma_start3A_49 = tpu.memref_slice %arg9[%add3A_33, %dma_start3A] : memref<10240x128xf32, #tpu.memory_space<vmem_shared>> -> memref<80x128xf32, #tpu.memory_space<vmem_shared>>
      %dma_start3A_50 = arith.constant 0 : i32
      %dma_start3A_51 = tpu.memref_slice %arg9[%add3A_33, %dma_start3A_50] : memref<10240x128xf32, #tpu.memory_space<vmem_shared>> -> memref<80x128xf32, #tpu.memory_space<vmem_shared>>
      tpu.enqueue_dma source(%arg8 : memref<80x128xf32, #tpu.memory_space<vmem>>) target(%dma_start3A_51 : memref<80x128xf32, #tpu.memory_space<vmem_shared>>) target_semaphore(%run_scoped3A : memref<!tpu.dma_semaphore, #tpu.memory_space<semaphore_mem>>)
      %dma_wait3A = arith.constant 0 : i32
      %dma_wait3A_52 = tpu.memref_slice %arg9[%add3A_33, %dma_wait3A] : memref<10240x128xf32, #tpu.memory_space<vmem_shared>> -> memref<80x128xf32, #tpu.memory_space<vmem_shared>>
      %dma_wait3A_53 = arith.constant 0 : i32
      %dma_wait3A_54 = tpu.memref_slice %arg9[%add3A_33, %dma_wait3A_53] : memref<10240x128xf32, #tpu.memory_space<vmem_shared>> -> memref<80x128xf32, #tpu.memory_space<vmem_shared>>
      tpu.wait_dma2 semaphore(%run_scoped3A : memref<!tpu.dma_semaphore, #tpu.memory_space<semaphore_mem>>) src(%arg8 : memref<80x128xf32, #tpu.memory_space<vmem>>) dst(%dma_wait3A_54 : memref<80x128xf32, #tpu.memory_space<vmem_shared>>)
      tpu.yield
    }) : () -> ()
    %mul3A_34 = arith.constant 640 : i32
    %mul3A_35 = arith.muli %arg1, %mul3A_34 : i32
    %add3A_36 = arith.constant 560 : i32
    %add3A_37 = arith.addi %mul3A_35, %add3A_36 : i32
    "tpu.region"() ({
      %run_scoped3A = tpu.sem_alloc : memref<!tpu.dma_semaphore, #tpu.memory_space<semaphore_mem>>
      %dma_start3A = arith.constant 0 : i32
      %dma_start3A_49 = tpu.memref_slice %arg9[%add3A_37, %dma_start3A] : memref<10240x128xf32, #tpu.memory_space<vmem_shared>> -> memref<80x128xf32, #tpu.memory_space<vmem_shared>>
      %dma_start3A_50 = arith.constant 0 : i32
      %dma_start3A_51 = tpu.memref_slice %arg9[%add3A_37, %dma_start3A_50] : memref<10240x128xf32, #tpu.memory_space<vmem_shared>> -> memref<80x128xf32, #tpu.memory_space<vmem_shared>>
      tpu.enqueue_dma source(%arg8 : memref<80x128xf32, #tpu.memory_space<vmem>>) target(%dma_start3A_51 : memref<80x128xf32, #tpu.memory_space<vmem_shared>>) target_semaphore(%run_scoped3A : memref<!tpu.dma_semaphore, #tpu.memory_space<semaphore_mem>>)
      %dma_wait3A = arith.constant 0 : i32
      %dma_wait3A_52 = tpu.memref_slice %arg9[%add3A_37, %dma_wait3A] : memref<10240x128xf32, #tpu.memory_space<vmem_shared>> -> memref<80x128xf32, #tpu.memory_space<vmem_shared>>
      %dma_wait3A_53 = arith.constant 0 : i32
      %dma_wait3A_54 = tpu.memref_slice %arg9[%add3A_37, %dma_wait3A_53] : memref<10240x128xf32, #tpu.memory_space<vmem_shared>> -> memref<80x128xf32, #tpu.memory_space<vmem_shared>>
      tpu.wait_dma2 semaphore(%run_scoped3A : memref<!tpu.dma_semaphore, #tpu.memory_space<semaphore_mem>>) src(%arg8 : memref<80x128xf32, #tpu.memory_space<vmem>>) dst(%dma_wait3A_54 : memref<80x128xf32, #tpu.memory_space<vmem_shared>>)
      tpu.yield
    }) : () -> ()
    %barrier3A = arith.constant 0 : index
    tpu.barrier barrier_id(%barrier3A)
    "tpu.region"() ({
      %run_scoped3A = tpu.sem_alloc : memref<!tpu.dma_semaphore, #tpu.memory_space<semaphore_mem>>
      %dma_start3A = arith.constant 0 : i32
      %dma_start3A_49 = arith.constant 0 : i32
      %dma_start3A_50 = tpu.memref_slice %arg3[%add3A, %dma_start3A, %dma_start3A_49] : memref<32x125x80xi32, #tpu.memory_space<hbm>> -> memref<1x125x80xi32, #tpu.memory_space<hbm>>
      %dma_start3A_51 = tpu.memref_squeeze %dma_start3A_50 : memref<1x125x80xi32, #tpu.memory_space<hbm>> -> memref<125x80xi32, #tpu.memory_space<hbm>>
      %dma_start3A_52 = arith.constant 0 : i32
      %dma_start3A_53 = arith.constant 0 : i32
      %dma_start3A_54 = tpu.memref_slice %arg3[%add3A, %dma_start3A_52, %dma_start3A_53] : memref<32x125x80xi32, #tpu.memory_space<hbm>> -> memref<1x125x80xi32, #tpu.memory_space<hbm>>
      %dma_start3A_55 = tpu.memref_squeeze %dma_start3A_54 : memref<1x125x80xi32, #tpu.memory_space<hbm>> -> memref<125x80xi32, #tpu.memory_space<hbm>>
      tpu.enqueue_dma source(%dma_start3A_55 : memref<125x80xi32, #tpu.memory_space<hbm>>) target(%arg6 : memref<125x80xi32, #tpu.memory_space<vmem>>) target_semaphore(%run_scoped3A : memref<!tpu.dma_semaphore, #tpu.memory_space<semaphore_mem>>)
      %dma_wait3A = arith.constant 0 : i32
      %dma_wait3A_56 = arith.constant 0 : i32
      %dma_wait3A_57 = tpu.memref_slice %arg3[%add3A, %dma_wait3A, %dma_wait3A_56] : memref<32x125x80xi32, #tpu.memory_space<hbm>> -> memref<1x125x80xi32, #tpu.memory_space<hbm>>
      %dma_wait3A_58 = tpu.memref_squeeze %dma_wait3A_57 : memref<1x125x80xi32, #tpu.memory_space<hbm>> -> memref<125x80xi32, #tpu.memory_space<hbm>>
      %dma_wait3A_59 = arith.constant 0 : i32
      %dma_wait3A_60 = arith.constant 0 : i32
      %dma_wait3A_61 = tpu.memref_slice %arg3[%add3A, %dma_wait3A_59, %dma_wait3A_60] : memref<32x125x80xi32, #tpu.memory_space<hbm>> -> memref<1x125x80xi32, #tpu.memory_space<hbm>>
      %dma_wait3A_62 = tpu.memref_squeeze %dma_wait3A_61 : memref<1x125x80xi32, #tpu.memory_space<hbm>> -> memref<125x80xi32, #tpu.memory_space<hbm>>
      tpu.wait_dma2 semaphore(%run_scoped3A : memref<!tpu.dma_semaphore, #tpu.memory_space<semaphore_mem>>) src(%dma_wait3A_62 : memref<125x80xi32, #tpu.memory_space<hbm>>) dst(%arg6 : memref<125x80xi32, #tpu.memory_space<vmem>>)
      tpu.yield
    }) : () -> ()
    "tpu.region"() ({
      %run_scoped3A = tpu.sem_alloc : memref<!tpu.dma_semaphore, #tpu.memory_space<semaphore_mem>>
      %dma_start3A = arith.constant 0 : i32
      %dma_start3A_49 = arith.constant 0 : i32
      %dma_start3A_50 = tpu.memref_slice %arg4[%add3A, %dma_start3A, %dma_start3A_49] : memref<32x125x80xi32, #tpu.memory_space<hbm>> -> memref<1x125x80xi32, #tpu.memory_space<hbm>>
      %dma_start3A_51 = tpu.memref_squeeze %dma_start3A_50 : memref<1x125x80xi32, #tpu.memory_space<hbm>> -> memref<125x80xi32, #tpu.memory_space<hbm>>
      %dma_start3A_52 = arith.constant 0 : i32
      %dma_start3A_53 = arith.constant 0 : i32
      %dma_start3A_54 = tpu.memref_slice %arg4[%add3A, %dma_start3A_52, %dma_start3A_53] : memref<32x125x80xi32, #tpu.memory_space<hbm>> -> memref<1x125x80xi32, #tpu.memory_space<hbm>>
      %dma_start3A_55 = tpu.memref_squeeze %dma_start3A_54 : memref<1x125x80xi32, #tpu.memory_space<hbm>> -> memref<125x80xi32, #tpu.memory_space<hbm>>
      tpu.enqueue_dma source(%dma_start3A_55 : memref<125x80xi32, #tpu.memory_space<hbm>>) target(%arg7 : memref<125x80xi32, #tpu.memory_space<vmem>>) target_semaphore(%run_scoped3A : memref<!tpu.dma_semaphore, #tpu.memory_space<semaphore_mem>>)
      %dma_wait3A = arith.constant 0 : i32
      %dma_wait3A_56 = arith.constant 0 : i32
      %dma_wait3A_57 = tpu.memref_slice %arg4[%add3A, %dma_wait3A, %dma_wait3A_56] : memref<32x125x80xi32, #tpu.memory_space<hbm>> -> memref<1x125x80xi32, #tpu.memory_space<hbm>>
      %dma_wait3A_58 = tpu.memref_squeeze %dma_wait3A_57 : memref<1x125x80xi32, #tpu.memory_space<hbm>> -> memref<125x80xi32, #tpu.memory_space<hbm>>
      %dma_wait3A_59 = arith.constant 0 : i32
      %dma_wait3A_60 = arith.constant 0 : i32
      %dma_wait3A_61 = tpu.memref_slice %arg4[%add3A, %dma_wait3A_59, %dma_wait3A_60] : memref<32x125x80xi32, #tpu.memory_space<hbm>> -> memref<1x125x80xi32, #tpu.memory_space<hbm>>
      %dma_wait3A_62 = tpu.memref_squeeze %dma_wait3A_61 : memref<1x125x80xi32, #tpu.memory_space<hbm>> -> memref<125x80xi32, #tpu.memory_space<hbm>>
      tpu.wait_dma2 semaphore(%run_scoped3A : memref<!tpu.dma_semaphore, #tpu.memory_space<semaphore_mem>>) src(%dma_wait3A_62 : memref<125x80xi32, #tpu.memory_space<hbm>>) dst(%arg7 : memref<125x80xi32, #tpu.memory_space<vmem>>)
      tpu.yield
    }) : () -> ()
    %scan3A_38 = arith.constant 0 : i32
    %scan3A_39 = arith.constant 0 : i32
    %scan3A_40 = arith.constant 125 : i32
    %scan3A_41 = arith.addi %scan3A_39, %scan3A_40 : i32
    %scan3A_42 = arith.constant 1 : i32
    scf.for %scan3A_49 = %scan3A_39 to %scan3A_41 step %scan3A_42  : i32 {
      %dma_start3A = arith.constant 0 : i32
      %dma_start3A_50 = tpu.memref_slice %arg6[%scan3A_49, %dma_start3A] : memref<125x80xi32, #tpu.memory_space<vmem>> -> memref<1x80xi32, #tpu.memory_space<vmem>>
      %dma_start3A_51 = tpu.memref_squeeze %dma_start3A_50 : memref<1x80xi32, #tpu.memory_space<vmem>> -> memref<80xi32, #tpu.memory_space<vmem>>
      %dma_start3A_52 = arith.constant 0 : i32
      %dma_start3A_53 = arith.constant 0 : i32
      %dma_start3A_54 = tpu.memref_slice %arg2[%dma_start3A_52, %dma_start3A_53] : memref<10000x128xf32, #tpu.memory_space<hbm>> -> memref<10000x128xf32, #tpu.memory_space<hbm>>
      tpu.enqueue_indirect_dma source(%dma_start3A_54 : memref<10000x128xf32, #tpu.memory_space<hbm>>) target(%arg8 : memref<80x128xf32, #tpu.memory_space<vmem>>) offsets(%dma_start3A_51 : memref<80xi32, #tpu.memory_space<vmem>>) semaphore(%arg10 : memref<!tpu.dma_semaphore, #tpu.memory_space<semaphore_mem>>)
      %dma_wait3A = arith.constant 0 : i32
      %dma_wait3A_55 = tpu.memref_slice %arg6[%scan3A_49, %dma_wait3A] : memref<125x80xi32, #tpu.memory_space<vmem>> -> memref<1x80xi32, #tpu.memory_space<vmem>>
      %dma_wait3A_56 = tpu.memref_squeeze %dma_wait3A_55 : memref<1x80xi32, #tpu.memory_space<vmem>> -> memref<80xi32, #tpu.memory_space<vmem>>
      %dma_wait3A_57 = arith.constant 0 : i32
      %dma_wait3A_58 = arith.constant 0 : i32
      %dma_wait3A_59 = tpu.memref_slice %arg2[%dma_wait3A_57, %dma_wait3A_58] : memref<10000x128xf32, #tpu.memory_space<hbm>> -> memref<10000x128xf32, #tpu.memory_space<hbm>>
      tpu.wait_indirect_dma semaphore(%arg10 : memref<!tpu.dma_semaphore, #tpu.memory_space<semaphore_mem>>) src(%dma_wait3A_59 : memref<10000x128xf32, #tpu.memory_space<hbm>>) dst(%arg8 : memref<80x128xf32, #tpu.memory_space<vmem>>)
      "tpu.region"() ({
        %run_scoped3A = tpu.sem_alloc : memref<!tpu.dma_semaphore, #tpu.memory_space<semaphore_mem>>
        %dma_start3A_60 = arith.constant 0 : i32
        %dma_start3A_61 = tpu.memref_slice %arg7[%scan3A_49, %dma_start3A_60] : memref<125x80xi32, #tpu.memory_space<vmem>> -> memref<1x80xi32, #tpu.memory_space<vmem>>
        %dma_start3A_62 = tpu.memref_squeeze %dma_start3A_61 : memref<1x80xi32, #tpu.memory_space<vmem>> -> memref<80xi32, #tpu.memory_space<vmem>>
        %dma_start3A_63 = arith.constant 0 : i32
        %dma_start3A_64 = arith.constant 0 : i32
        %dma_start3A_65 = tpu.memref_slice %arg9[%dma_start3A_63, %dma_start3A_64] : memref<10240x128xf32, #tpu.memory_space<vmem_shared>> -> memref<10240x128xf32, #tpu.memory_space<vmem_shared>>
        tpu.enqueue_indirect_dma source(%arg8 : memref<80x128xf32, #tpu.memory_space<vmem>>) target(%dma_start3A_65 : memref<10240x128xf32, #tpu.memory_space<vmem_shared>>) offsets(%dma_start3A_62 : memref<80xi32, #tpu.memory_space<vmem>>) semaphore(%run_scoped3A : memref<!tpu.dma_semaphore, #tpu.memory_space<semaphore_mem>>) {add = true}
        %dma_wait3A_66 = arith.constant 0 : i32
        %dma_wait3A_67 = tpu.memref_slice %arg7[%scan3A_49, %dma_wait3A_66] : memref<125x80xi32, #tpu.memory_space<vmem>> -> memref<1x80xi32, #tpu.memory_space<vmem>>
        %dma_wait3A_68 = tpu.memref_squeeze %dma_wait3A_67 : memref<1x80xi32, #tpu.memory_space<vmem>> -> memref<80xi32, #tpu.memory_space<vmem>>
        %dma_wait3A_69 = arith.constant 0 : i32
        %dma_wait3A_70 = arith.constant 0 : i32
        %dma_wait3A_71 = tpu.memref_slice %arg9[%dma_wait3A_69, %dma_wait3A_70] : memref<10240x128xf32, #tpu.memory_space<vmem_shared>> -> memref<10240x128xf32, #tpu.memory_space<vmem_shared>>
        tpu.wait_indirect_dma semaphore(%run_scoped3A : memref<!tpu.dma_semaphore, #tpu.memory_space<semaphore_mem>>) src(%arg8 : memref<80x128xf32, #tpu.memory_space<vmem>>) dst(%dma_wait3A_71 : memref<10240x128xf32, #tpu.memory_space<vmem_shared>>)
        tpu.yield
      }) : () -> ()
    }
    %scan3A_43 = arith.constant 125 : i32
    %barrier3A_44 = arith.constant 0 : index
    tpu.barrier barrier_id(%barrier3A_44)
    %mul3A_45 = arith.constant 640 : i32
    %mul3A_46 = arith.muli %arg1, %mul3A_45 : i32
    %mul3A_47 = arith.constant 640 : i32
    %mul3A_48 = arith.muli %arg1, %mul3A_47 : i32
    "tpu.region"() ({
      %run_scoped3A = tpu.sem_alloc : memref<!tpu.dma_semaphore, #tpu.memory_space<semaphore_mem>>
      %dma_start3A = arith.constant 0 : i32
      %dma_start3A_49 = tpu.memref_slice %arg5[%arg0, %mul3A_48, %dma_start3A] : memref<2x10240x128xf32, #tpu.memory_space<hbm>> -> memref<1x640x128xf32, #tpu.memory_space<hbm>>
      %dma_start3A_50 = tpu.memref_squeeze %dma_start3A_49 : memref<1x640x128xf32, #tpu.memory_space<hbm>> -> memref<640x128xf32, #tpu.memory_space<hbm>>
      %dma_start3A_51 = arith.constant 0 : i32
      %dma_start3A_52 = tpu.memref_slice %arg9[%mul3A_46, %dma_start3A_51] : memref<10240x128xf32, #tpu.memory_space<vmem_shared>> -> memref<640x128xf32, #tpu.memory_space<vmem_shared>>
      tpu.enqueue_dma source(%dma_start3A_52 : memref<640x128xf32, #tpu.memory_space<vmem_shared>>) target(%dma_start3A_50 : memref<640x128xf32, #tpu.memory_space<hbm>>) target_semaphore(%run_scoped3A : memref<!tpu.dma_semaphore, #tpu.memory_space<semaphore_mem>>)
      %dma_wait3A = arith.constant 0 : i32
      %dma_wait3A_53 = tpu.memref_slice %arg5[%arg0, %mul3A_48, %dma_wait3A] : memref<2x10240x128xf32, #tpu.memory_space<hbm>> -> memref<1x640x128xf32, #tpu.memory_space<hbm>>
      %dma_wait3A_54 = tpu.memref_squeeze %dma_wait3A_53 : memref<1x640x128xf32, #tpu.memory_space<hbm>> -> memref<640x128xf32, #tpu.memory_space<hbm>>
      %dma_wait3A_55 = arith.constant 0 : i32
      %dma_wait3A_56 = tpu.memref_slice %arg9[%mul3A_46, %dma_wait3A_55] : memref<10240x128xf32, #tpu.memory_space<vmem_shared>> -> memref<640x128xf32, #tpu.memory_space<vmem_shared>>
      tpu.wait_dma2 semaphore(%run_scoped3A : memref<!tpu.dma_semaphore, #tpu.memory_space<semaphore_mem>>) src(%dma_wait3A_56 : memref<640x128xf32, #tpu.memory_space<vmem_shared>>) dst(%dma_wait3A_54 : memref<640x128xf32, #tpu.memory_space<hbm>>)
      tpu.yield
    }) : () -> ()
    return
  }
}

module attributes {stable_mosaic.version = 14 : i64} {
  func.func @_l1_body(%arg0: i32, %arg1: memref<1000x128xf32, #tpu.memory_space<vmem>>, %arg2: memref<128x128xf32, #tpu.memory_space<vmem>>, %arg3: memref<1000x1xf32, #tpu.memory_space<vmem>>, %arg4: memref<1000x1xf32, #tpu.memory_space<vmem>>, %arg5: memref<1000x128xf32, #tpu.memory_space<vmem>>) attributes {dimension_semantics = [#tpu.dimension_semantics<arbitrary>], iteration_bounds = array<i64: 10>, scalar_prefetch = 0 : i64, scratch_operands = 0 : i64, tpu.core_type = #tpu.core_type<tc>, window_params = [{transform_indices = @transform_0, window_bounds = array<i64: 1000, 128>}, {pipeline_mode = #tpu.pipeline_mode<synchronous>, transform_indices = @transform_1, window_bounds = array<i64: 128, 128>}, {transform_indices = @transform_2, window_bounds = array<i64: 1000, 1>}, {transform_indices = @transform_3, window_bounds = array<i64: 1000, 1>}, {transform_indices = @transform_4, window_bounds = array<i64: 1000, 128>}]} {
    %get3A = arith.constant 0 : index
    %get3A_0 = arith.constant 0 : index
    %get3A_1 = vector.load %arg3[%get3A, %get3A_0] : memref<1000x1xf32, #tpu.memory_space<vmem>>, vector<1000x1xf32>
    %get3A_2 = arith.constant 0 : index
    %get3A_3 = arith.constant 0 : index
    %get3A_4 = vector.load %arg4[%get3A_2, %get3A_3] : memref<1000x1xf32, #tpu.memory_space<vmem>>, vector<1000x1xf32>
    %add3A = arith.addf %get3A_1, %get3A_4 : vector<1000x1xf32>
    %add3A_5 = arith.constant 1.000000e+00 : f32
    %add3A_6 = vector.broadcast %add3A_5 : f32 to vector<1000x1xf32>
    %add3A_7 = arith.addf %add3A, %add3A_6 : vector<1000x1xf32>
    %rsqrt3A = math.rsqrt %add3A_7 : vector<1000x1xf32>
    %get3A_8 = arith.constant 0 : index
    %get3A_9 = arith.constant 0 : index
    %get3A_10 = vector.load %arg1[%get3A_8, %get3A_9] : memref<1000x128xf32, #tpu.memory_space<vmem>>, vector<1000x128xf32>
    %get3A_11 = arith.constant 0 : index
    %get3A_12 = arith.constant 0 : index
    %get3A_13 = vector.load %arg2[%get3A_11, %get3A_12] : memref<128x128xf32, #tpu.memory_space<vmem>>, vector<128x128xf32>
    %dot_general3A = arith.constant dense<0.000000e+00> : vector<1000x128xf32>
    %dot_general3A_14 = tpu.matmul %get3A_10, %get3A_13, %dot_general3A {dimension_numbers = #tpu.dot_dimension_numbers<[1], [0], [0], [1], [0, 0, 1, 1], [], []>, transpose_lhs_hint = false} : vector<1000x128xf32>, vector<128x128xf32>, vector<1000x128xf32> -> vector<1000x128xf32>
    %mul3A = vector.broadcast %rsqrt3A : vector<1000x1xf32> to vector<1000x128xf32>
    %mul3A_15 = arith.mulf %dot_general3A_14, %mul3A : vector<1000x128xf32>
    %swap3A = arith.constant 0 : index
    %swap3A_16 = arith.constant 0 : index
    %swap3A_17 = vector.load %arg5[%swap3A, %swap3A_16] : memref<1000x128xf32, #tpu.memory_space<vmem>>, vector<1000x128xf32>
    tpu.vector_store %arg5[%swap3A, %swap3A_16], %mul3A_15 {strides = array<i32>} : memref<1000x128xf32, #tpu.memory_space<vmem>>, vector<1000x128xf32>,
    return
  }
  func.func @transform_0(%arg0: i32) -> (i32, i32) {
    %c0_i32 = arith.constant 0 : i32
    %c0_i32_0 = arith.constant 0 : i32
    return %arg0, %c0_i32 : i32, i32
  }
  func.func @transform_1(%arg0: i32) -> (i32, i32) {
    %c0_i32 = arith.constant 0 : i32
    %c0_i32_0 = arith.constant 0 : i32
    %c0_i32_1 = arith.constant 0 : i32
    return %c0_i32, %c0_i32_0 : i32, i32
  }
  func.func @transform_2(%arg0: i32) -> (i32, i32) {
    %c0_i32 = arith.constant 0 : i32
    %c0_i32_0 = arith.constant 0 : i32
    return %arg0, %c0_i32 : i32, i32
  }
  func.func @transform_3(%arg0: i32) -> (i32, i32) {
    %c0_i32 = arith.constant 0 : i32
    %c0_i32_0 = arith.constant 0 : i32
    return %arg0, %c0_i32 : i32, i32
  }
  func.func @transform_4(%arg0: i32) -> (i32, i32) {
    %c0_i32 = arith.constant 0 : i32
    %c0_i32_0 = arith.constant 0 : i32
    return %arg0, %c0_i32 : i32, i32
  }
}

module attributes {stable_mosaic.version = 14 : i64} {
  func.func @_mid_body(%arg0: i32, %arg1: memref<1000x128xf32, #tpu.memory_space<vmem>>, %arg2: memref<1000x128xf32, #tpu.memory_space<vmem>>, %arg3: memref<1000x128xf32, #tpu.memory_space<vmem>>, %arg4: memref<1000x1xf32, #tpu.memory_space<vmem>>, %arg5: memref<1000x1xf32, #tpu.memory_space<vmem>>, %arg6: memref<1x128xf32, #tpu.memory_space<vmem>>, %arg7: memref<128x128xf32, #tpu.memory_space<vmem>>, %arg8: memref<1000x128xf32, #tpu.memory_space<vmem>>) attributes {dimension_semantics = [#tpu.dimension_semantics<arbitrary>], iteration_bounds = array<i64: 10>, scalar_prefetch = 0 : i64, scratch_operands = 0 : i64, tpu.core_type = #tpu.core_type<tc>, window_params = [{transform_indices = @transform_0, window_bounds = array<i64: 1000, 128>}, {transform_indices = @transform_1, window_bounds = array<i64: 1000, 128>}, {transform_indices = @transform_2, window_bounds = array<i64: 1000, 128>}, {transform_indices = @transform_3, window_bounds = array<i64: 1000, 1>}, {transform_indices = @transform_4, window_bounds = array<i64: 1000, 1>}, {pipeline_mode = #tpu.pipeline_mode<synchronous>, transform_indices = @transform_5, window_bounds = array<i64: 1, 128>}, {pipeline_mode = #tpu.pipeline_mode<synchronous>, transform_indices = @transform_6, window_bounds = array<i64: 128, 128>}, {transform_indices = @transform_7, window_bounds = array<i64: 1000, 128>}]} {
    %get3A = arith.constant 0 : index
    %get3A_0 = arith.constant 0 : index
    %get3A_1 = vector.load %arg4[%get3A, %get3A_0] : memref<1000x1xf32, #tpu.memory_space<vmem>>, vector<1000x1xf32>
    %get3A_2 = arith.constant 0 : index
    %get3A_3 = arith.constant 0 : index
    %get3A_4 = vector.load %arg5[%get3A_2, %get3A_3] : memref<1000x1xf32, #tpu.memory_space<vmem>>, vector<1000x1xf32>
    %add3A = arith.addf %get3A_1, %get3A_4 : vector<1000x1xf32>
    %add3A_5 = arith.constant 1.000000e+00 : f32
    %add3A_6 = vector.broadcast %add3A_5 : f32 to vector<1000x1xf32>
    %add3A_7 = arith.addf %add3A, %add3A_6 : vector<1000x1xf32>
    %rsqrt3A = math.rsqrt %add3A_7 : vector<1000x1xf32>
    %get3A_8 = arith.constant 0 : index
    %get3A_9 = arith.constant 0 : index
    %get3A_10 = vector.load %arg1[%get3A_8, %get3A_9] : memref<1000x128xf32, #tpu.memory_space<vmem>>, vector<1000x128xf32>
    %get3A_11 = arith.constant 0 : index
    %get3A_12 = arith.constant 0 : index
    %get3A_13 = vector.load %arg2[%get3A_11, %get3A_12] : memref<1000x128xf32, #tpu.memory_space<vmem>>, vector<1000x128xf32>
    %add3A_14 = arith.addf %get3A_10, %get3A_13 : vector<1000x128xf32>
    %get3A_15 = arith.constant 0 : index
    %get3A_16 = arith.constant 0 : index
    %get3A_17 = vector.load %arg3[%get3A_15, %get3A_16] : memref<1000x128xf32, #tpu.memory_space<vmem>>, vector<1000x128xf32>
    %add3A_18 = arith.addf %add3A_14, %get3A_17 : vector<1000x128xf32>
    %mul3A = vector.broadcast %rsqrt3A : vector<1000x1xf32> to vector<1000x128xf32>
    %mul3A_19 = arith.mulf %mul3A, %add3A_18 : vector<1000x128xf32>
    %get3A_20 = arith.constant 0 : index
    %get3A_21 = arith.constant 0 : index
    %get3A_22 = vector.load %arg6[%get3A_20, %get3A_21] : memref<1x128xf32, #tpu.memory_space<vmem>>, vector<1x128xf32>
    %add3A_23 = vector.broadcast %get3A_22 : vector<1x128xf32> to vector<1000x128xf32>
    %add3A_24 = arith.addf %mul3A_19, %add3A_23 : vector<1000x128xf32>
    %max3A = arith.constant 0.000000e+00 : f32
    %max3A_25 = vector.broadcast %max3A : f32 to vector<1000x128xf32>
    %max3A_26 = arith.maximumf %add3A_24, %max3A_25 : vector<1000x128xf32>
    %get3A_27 = arith.constant 0 : index
    %get3A_28 = arith.constant 0 : index
    %get3A_29 = vector.load %arg7[%get3A_27, %get3A_28] : memref<128x128xf32, #tpu.memory_space<vmem>>, vector<128x128xf32>
    %dot_general3A = arith.constant dense<0.000000e+00> : vector<1000x128xf32>
    %dot_general3A_30 = tpu.matmul %max3A_26, %get3A_29, %dot_general3A {dimension_numbers = #tpu.dot_dimension_numbers<[1], [0], [0], [1], [0, 0, 1, 1], [], []>, transpose_lhs_hint = false} : vector<1000x128xf32>, vector<128x128xf32>, vector<1000x128xf32> -> vector<1000x128xf32>
    %mul3A_31 = vector.broadcast %rsqrt3A : vector<1000x1xf32> to vector<1000x128xf32>
    %mul3A_32 = arith.mulf %dot_general3A_30, %mul3A_31 : vector<1000x128xf32>
    %swap3A = arith.constant 0 : index
    %swap3A_33 = arith.constant 0 : index
    %swap3A_34 = vector.load %arg8[%swap3A, %swap3A_33] : memref<1000x128xf32, #tpu.memory_space<vmem>>, vector<1000x128xf32>
    tpu.vector_store %arg8[%swap3A, %swap3A_33], %mul3A_32 {strides = array<i32>} : memref<1000x128xf32, #tpu.memory_space<vmem>>, vector<1000x128xf32>,
    return
  }
  func.func @transform_0(%arg0: i32) -> (i32, i32) {
    %c0_i32 = arith.constant 0 : i32
    %c0_i32_0 = arith.constant 0 : i32
    return %arg0, %c0_i32 : i32, i32
  }
  func.func @transform_1(%arg0: i32) -> (i32, i32) {
    %c0_i32 = arith.constant 0 : i32
    %c0_i32_0 = arith.constant 0 : i32
    return %arg0, %c0_i32 : i32, i32
  }
  func.func @transform_2(%arg0: i32) -> (i32, i32) {
    %c0_i32 = arith.constant 0 : i32
    %c0_i32_0 = arith.constant 0 : i32
    return %arg0, %c0_i32 : i32, i32
  }
  func.func @transform_3(%arg0: i32) -> (i32, i32) {
    %c0_i32 = arith.constant 0 : i32
    %c0_i32_0 = arith.constant 0 : i32
    return %arg0, %c0_i32 : i32, i32
  }
  func.func @transform_4(%arg0: i32) -> (i32, i32) {
    %c0_i32 = arith.constant 0 : i32
    %c0_i32_0 = arith.constant 0 : i32
    return %arg0, %c0_i32 : i32, i32
  }
  func.func @transform_5(%arg0: i32) -> (i32, i32) {
    %c0_i32 = arith.constant 0 : i32
    %c0_i32_0 = arith.constant 0 : i32
    %c0_i32_1 = arith.constant 0 : i32
    return %c0_i32, %c0_i32_0 : i32, i32
  }
  func.func @transform_6(%arg0: i32) -> (i32, i32) {
    %c0_i32 = arith.constant 0 : i32
    %c0_i32_0 = arith.constant 0 : i32
    %c0_i32_1 = arith.constant 0 : i32
    return %c0_i32, %c0_i32_0 : i32, i32
  }
  func.func @transform_7(%arg0: i32) -> (i32, i32) {
    %c0_i32 = arith.constant 0 : i32
    %c0_i32_0 = arith.constant 0 : i32
    return %arg0, %c0_i32 : i32, i32
  }
}

module attributes {stable_mosaic.version = 14 : i64} {
  func.func @_end_body(%arg0: i32, %arg1: memref<1000x128xf32, #tpu.memory_space<vmem>>, %arg2: memref<1000x128xf32, #tpu.memory_space<vmem>>, %arg3: memref<1000x128xf32, #tpu.memory_space<vmem>>, %arg4: memref<1000x1xf32, #tpu.memory_space<vmem>>, %arg5: memref<1000x1xf32, #tpu.memory_space<vmem>>, %arg6: memref<1x128xf32, #tpu.memory_space<vmem>>, %arg7: memref<1000x128xf32, #tpu.memory_space<vmem>>) attributes {dimension_semantics = [#tpu.dimension_semantics<arbitrary>], iteration_bounds = array<i64: 10>, scalar_prefetch = 0 : i64, scratch_operands = 0 : i64, tpu.core_type = #tpu.core_type<tc>, window_params = [{transform_indices = @transform_0, window_bounds = array<i64: 1000, 128>}, {transform_indices = @transform_1, window_bounds = array<i64: 1000, 128>}, {transform_indices = @transform_2, window_bounds = array<i64: 1000, 128>}, {transform_indices = @transform_3, window_bounds = array<i64: 1000, 1>}, {transform_indices = @transform_4, window_bounds = array<i64: 1000, 1>}, {pipeline_mode = #tpu.pipeline_mode<synchronous>, transform_indices = @transform_5, window_bounds = array<i64: 1, 128>}, {transform_indices = @transform_6, window_bounds = array<i64: 1000, 128>}]} {
    %get3A = arith.constant 0 : index
    %get3A_0 = arith.constant 0 : index
    %get3A_1 = vector.load %arg4[%get3A, %get3A_0] : memref<1000x1xf32, #tpu.memory_space<vmem>>, vector<1000x1xf32>
    %get3A_2 = arith.constant 0 : index
    %get3A_3 = arith.constant 0 : index
    %get3A_4 = vector.load %arg5[%get3A_2, %get3A_3] : memref<1000x1xf32, #tpu.memory_space<vmem>>, vector<1000x1xf32>
    %add3A = arith.addf %get3A_1, %get3A_4 : vector<1000x1xf32>
    %add3A_5 = arith.constant 1.000000e+00 : f32
    %add3A_6 = vector.broadcast %add3A_5 : f32 to vector<1000x1xf32>
    %add3A_7 = arith.addf %add3A, %add3A_6 : vector<1000x1xf32>
    %rsqrt3A = math.rsqrt %add3A_7 : vector<1000x1xf32>
    %get3A_8 = arith.constant 0 : index
    %get3A_9 = arith.constant 0 : index
    %get3A_10 = vector.load %arg1[%get3A_8, %get3A_9] : memref<1000x128xf32, #tpu.memory_space<vmem>>, vector<1000x128xf32>
    %get3A_11 = arith.constant 0 : index
    %get3A_12 = arith.constant 0 : index
    %get3A_13 = vector.load %arg2[%get3A_11, %get3A_12] : memref<1000x128xf32, #tpu.memory_space<vmem>>, vector<1000x128xf32>
    %add3A_14 = arith.addf %get3A_10, %get3A_13 : vector<1000x128xf32>
    %get3A_15 = arith.constant 0 : index
    %get3A_16 = arith.constant 0 : index
    %get3A_17 = vector.load %arg3[%get3A_15, %get3A_16] : memref<1000x128xf32, #tpu.memory_space<vmem>>, vector<1000x128xf32>
    %add3A_18 = arith.addf %add3A_14, %get3A_17 : vector<1000x128xf32>
    %mul3A = vector.broadcast %rsqrt3A : vector<1000x1xf32> to vector<1000x128xf32>
    %mul3A_19 = arith.mulf %mul3A, %add3A_18 : vector<1000x128xf32>
    %get3A_20 = arith.constant 0 : index
    %get3A_21 = arith.constant 0 : index
    %get3A_22 = vector.load %arg6[%get3A_20, %get3A_21] : memref<1x128xf32, #tpu.memory_space<vmem>>, vector<1x128xf32>
    %add3A_23 = vector.broadcast %get3A_22 : vector<1x128xf32> to vector<1000x128xf32>
    %add3A_24 = arith.addf %mul3A_19, %add3A_23 : vector<1000x128xf32>
    %swap3A = arith.constant 0 : index
    %swap3A_25 = arith.constant 0 : index
    %swap3A_26 = vector.load %arg7[%swap3A, %swap3A_25] : memref<1000x128xf32, #tpu.memory_space<vmem>>, vector<1000x128xf32>
    tpu.vector_store %arg7[%swap3A, %swap3A_25], %add3A_24 {strides = array<i32>} : memref<1000x128xf32, #tpu.memory_space<vmem>>, vector<1000x128xf32>,
    return
  }
  func.func @transform_0(%arg0: i32) -> (i32, i32) {
    %c0_i32 = arith.constant 0 : i32
    %c0_i32_0 = arith.constant 0 : i32
    return %arg0, %c0_i32 : i32, i32
  }
  func.func @transform_1(%arg0: i32) -> (i32, i32) {
    %c0_i32 = arith.constant 0 : i32
    %c0_i32_0 = arith.constant 0 : i32
    return %arg0, %c0_i32 : i32, i32
  }
  func.func @transform_2(%arg0: i32) -> (i32, i32) {
    %c0_i32 = arith.constant 0 : i32
    %c0_i32_0 = arith.constant 0 : i32
    return %arg0, %c0_i32 : i32, i32
  }
  func.func @transform_3(%arg0: i32) -> (i32, i32) {
    %c0_i32 = arith.constant 0 : i32
    %c0_i32_0 = arith.constant 0 : i32
    return %arg0, %c0_i32 : i32, i32
  }
  func.func @transform_4(%arg0: i32) -> (i32, i32) {
    %c0_i32 = arith.constant 0 : i32
    %c0_i32_0 = arith.constant 0 : i32
    return %arg0, %c0_i32 : i32, i32
  }
  func.func @transform_5(%arg0: i32) -> (i32, i32) {
    %c0_i32 = arith.constant 0 : i32
    %c0_i32_0 = arith.constant 0 : i32
    %c0_i32_1 = arith.constant 0 : i32
    return %c0_i32, %c0_i32_0 : i32, i32
  }
  func.func @transform_6(%arg0: i32) -> (i32, i32) {
    %c0_i32 = arith.constant 0 : i32
    %c0_i32_0 = arith.constant 0 : i32
    return %arg0, %c0_i32 : i32, i32
  }
}

</mosaic_0001>

<sc_bundles>
// kernel: kernel.11.cloned.1.call-start
scs
__scs_entry_jumppad:
0x0: {  	(pc) =	sbr.rel $0x88, $3  }
0x1: {  	(tag) =	ssettag $0x0;
	lr =	simm.s32 $0x1  }
0x2: {  	[smem:$0x3F9B] =	sst lr;
	_ =	strace $0xD0000000  }
0x3: {  	_ = 	snop  }
0x4: {  	_ = 	snop  }
0x5: {  	_ = 	snop  }
0x6: {  	_ = 	snop  }
0x7: {  	_ = 	snop  }
__scs_overlays_trampoline_lowered:
0x8: {  	[smem:$0x3FAA] =	sst s0  }
0x9: {  	[smem:$0x3FAB] =	sst s1  }
0xa: {  	[smem:$0x3FAC] =	sst s2  }
0xb: {  	[smem:$0x3FAD] =	sst s3  }
0xc: {  	[smem:$0x3FAE] =	sst s4  }
0xd: {  	[smem:$0x3FAF] =	sst s5  }
0xe: {  	[smem:$0x3FB0] =	sst s6  }
0xf: {  	[smem:$0x3FB1] =	sst s7  }
0x10: {  	[smem:$0x3FB2] =	sst s8  }
0x11: {  	[smem:$0x3FB3] =	sst s9;
	s0 =	simm.s32 @!p0 $0x0  }
0x12: {  	s1 =	sld [smem:$0x3F99];
	s0 =	simm.s32 @p0 $0x1  }
0x13: {  	[smem:$0x3FB4] =	sst s0;
	s0 =	simm.s32 @!p1 $0x0  }
0x14: {  	s2 =	sld [smem:$0x3F98];
	s0 =	simm.s32 @p1 $0x1  }
0x15: {  	[smem:$0x3FB5] =	sst s0;
	s0 =	simm.s32 @!p2 $0x0  }
0x16: {  	s3 =	sld [smem:$0x3FDB];
	s0 =	simm.s32 @p2 $0x1  }
0x17: {  	s4 =	simm.s32 $0x1BF5;
	[smem:$0x3FB7] =	sst s0  }
0x18: {  	s0 =	sld [smem:$0x3F9A];
	_ =	swait.ge [sflag:s4], $0x0  }
0x19: {  	s7 =	sld [smem:$0x3F9B]  }
0x1a: {  	s8 =	sadd.s32 $0xFFFFE003, lr  }
0x1b: {  	s9 =	sadd.s32 $0xFFFFFEF7, lr;
	s5 =	simm.s32 $0xFFFFFFFF;
	p2 =	slt.u32 s8, $0xFFFFF086  }
0x1c: {  	p1 =	slt.u32 s9, $0xF7A;
	s5 =	simm.s32 @!p2 $0x0  }
0x1d: {  	s5 =	simm.s32 @p1 $0x1;
	p0 =	seq.s32 s7, s2  }
0x1e: {  	s7 =	smul.u32 @!p0 $0xF7A, s2;
	p2 =	seq.s32 @!p0 s5, $0x0  }
0x1f: {  	s9 =	smul.u32 $0xF7A, s1;
	s8 =	simm.s32 @!p0 $0x1BF5;
	p2 =	por !p2, p0  }
0x20: {  	[sflag:s8] =	ssyncset.s32 @!p0 $0xFFFFF086;
	s6 =	sadd.s32 @!p0 s3, s7;
	s7 =	simm.s32 @!p0 $0x108  }
0x21: {  	s3 =	sadd.s32 s3, s9;
	s6 =	sadd.s32 @!p0 $0x88, s6;
	s7 =	simm.s32 @p2 $0x1082  }
0x22: {  	[simem:s7], [sflag:s8] =	dma.local @!p0 [hbm:s6], $0xF7A  }
0x23: {  	s9 =	sor.u32 $0xD0000000, s2;
	s6 =	simm.s32 $0x108;
	_ =	swait.ge @!p0 [sflag:s8], $0x0  }
0x24: {  	s3 =	sadd.s32 $0x88, s3;
	s6 =	simm.s32 @!p1 $0x1082;
	[sflag:s4] =	ssyncset.s32 $0xFFFFF086  }
0x25: {  	[simem:s6], [sflag:s4] =	dma.local [hbm:s3], $0xF7A  }
0x26: {  	[smem:$0x3F9B] =	sst s1;
	(tag) =	ssettag s2;
	_ =	strace s9  }
0x27: {  	s1 =	sld [smem:$0x3FAB]  }
0x28: {  	s2 =	sld [smem:$0x3FAC]  }
0x29: {  	s4 =	sld [smem:$0x3FAE]  }
0x2a: {  	p0 =	seq.s32 s5, $0x0;
	s5 =	sld [smem:$0x3FAF]  }
0x2b: {  	s6 =	sld [smem:$0x3FB0]  }
0x2c: {  	s7 =	sld [smem:$0x3FB1]  }
0x2d: {  	s3 =	simm.s32 $0x108;
	s8 =	sld [smem:$0x3FB2]  }
0x2e: {  	s3 =	simm.s32 @!p0 $0x1082;
	s9 =	sld [smem:$0x3FB3]  }
0x2f: {  	lr =	sadd.s32 s0, s3;
	s0 =	sld [smem:$0x3FAA]  }
0x30: {  	s3 =	sld [smem:$0x3FAD]  }
0x31: {  	[smem:$0x3FB6] =	sst s10  }
0x32: {  	s10 =	sld [smem:$0x3FB4];
	_ =	sdelay $0x3  }
0x33: {  	p0 =	seq.s32 s10, $0x1;
	s10 =	sld [smem:$0x3FB6];
	_ =	sdelay $0x3  }
0x34: {  	[smem:$0x3FB6] =	sst s10  }
0x35: {  	s10 =	sld [smem:$0x3FB5];
	_ =	sdelay $0x3  }
0x36: {  	p1 =	seq.s32 s10, $0x1;
	s10 =	sld [smem:$0x3FB6];
	_ =	sdelay $0x3  }
0x37: {  	[smem:$0x3FB6] =	sst s10  }
0x38: {  	s10 =	sld [smem:$0x3FB7]  }
0x39: {  	_ = 	snop;
	(pc) =	sbr.ind lr, $3  }
0x3a: {  	_ = 	snop  }
0x3b: {  	_ = 	snop  }
0x3c: {  	p2 =	seq.s32 s10, $0x1;
	s10 =	sld [smem:$0x3FB6]  }
0x3d: {  	_ =	shalt  }
0x3e: {  	_ =	shalt  }
0x3f: {  	_ =	shalt  }
0x40: {  	_ =	shalt  }
0x41: {  	_ =	shalt  }
0x42: {  	_ =	shalt  }
0x43: {  	_ =	shalt  }
0x44: {  	_ =	shalt  }
0x45: {  	_ =	shalt  }
0x46: {  	_ =	shalt  }
0x47: {  	_ =	shalt  }
0x48: {  	_ =	shalt  }
0x49: {  	_ =	shalt  }
0x4a: {  	_ =	shalt  }
0x4b: {  	_ =	shalt  }
0x4c: {  	_ =	shalt  }
0x4d: {  	_ =	shalt  }
0x4e: {  	_ =	shalt  }
0x4f: {  	_ =	shalt  }
0x50: {  	_ =	shalt  }
0x51: {  	_ =	shalt  }
0x52: {  	_ =	shalt  }
0x53: {  	_ =	shalt  }
0x54: {  	_ =	shalt  }
0x55: {  	_ =	shalt  }
0x56: {  	_ =	shalt  }
0x57: {  	_ =	shalt  }
0x58: {  	_ =	shalt  }
0x59: {  	_ =	shalt  }
0x5a: {  	_ =	shalt  }
0x5b: {  	_ =	shalt  }
0x5c: {  	_ =	shalt  }
0x5d: {  	_ =	shalt  }
0x5e: {  	_ =	shalt  }
0x5f: {  	_ =	shalt  }
0x60: {  	_ =	shalt  }
0x61: {  	_ =	shalt  }
0x62: {  	_ =	shalt  }
0x63: {  	_ =	shalt  }
0x64: {  	_ =	shalt  }
0x65: {  	_ =	shalt  }
0x66: {  	_ =	shalt  }
0x67: {  	_ =	shalt  }
0x68: {  	_ =	shalt  }
0x69: {  	_ =	shalt  }
0x6a: {  	_ =	shalt  }
0x6b: {  	_ =	shalt  }
0x6c: {  	_ =	shalt  }
0x6d: {  	_ =	shalt  }
0x6e: {  	_ =	shalt  }
0x6f: {  	_ =	shalt  }
0x70: {  	_ =	shalt  }
0x71: {  	_ =	shalt  }
0x72: {  	_ =	shalt  }
0x73: {  	_ =	shalt  }
0x74: {  	_ =	shalt  }
0x75: {  	_ =	shalt  }
0x76: {  	_ =	shalt  }
0x77: {  	_ =	shalt  }
0x78: {  	_ =	shalt  }
0x79: {  	_ =	shalt  }
0x7a: {  	_ =	shalt  }
0x7b: {  	_ =	shalt  }
0x7c: {  	_ =	shalt  }
0x7d: {  	_ =	shalt  }
0x7e: {  	_ =	shalt  }
0x7f: {  	_ =	shalt  }
0x80: {  	_ =	shalt  }
0x81: {  	_ =	shalt  }
0x82: {  	_ =	shalt  }
0x83: {  	_ =	shalt  }
0x84: {  	_ =	shalt  }
0x85: {  	_ =	shalt  }
0x86: {  	_ =	shalt  }
0x87: {  	_ =	shalt  }
.Lfunc_end0:
.L_simem_size_0:
called_computation.1_lowered:
.L_overlay_start_0:
0x88: {  	s2 =	sld [smem:$0x3FD9]  }
0x89: {  	s3 =	sld [smem:$0x3FFE];
	_ =	sdelay $0x1  }
0x8a: {  	s1 =	srdreg.scid  }
0x8b: {  	s0 =	sand.u32 $0x1, s1  }
0x8c: {  	s17 =	sshll.u32 s0, $0xA;
	s2 =	sadd.s32 s3, s2  }
0x8d: {  	s2 =	sadd.s32 s2, s17  }
0x8e: {  	[smem:$0x3FC2] =	sst s2  }
0x8f: {  	_ = 	snop  }
0x90: {  	s2 =	sld [smem:$0x3FD0];
	(tm) =	ssettm $0x1  }
0x91: {  	s18 =	sld [smem:$0x3FFB];
	_ =	sdelay $0x3  }
0x92: {  	_ =	strace s18  }
0x93: {  	s3 =	sld [smem:$0x3FFC];
	_ =	sdelay $0x3  }
0x94: {  	_ =	strace s3  }
0x95: {  	s3 =	sld [smem:$0x3FFD];
	_ =	sdelay $0x3  }
0x96: {  	_ =	strace s3  }
0x97: {  	_ =	strace $0x8FFFFFFF  }
0x98: {  	s19 =	sld [smem:$0x3FDB];
	_ =	sdelay $0x1  }
0x99: {  	s4 =	simm.s32 $_scs_section_size  }
0x9a: {  	s5 =	simm.s32 $_size__tile_overlayer_lowered;
	s6 =	simm.s32 $_tile_overlayer_lowered  }
0x9b: {  	s22 =	simm.s32 $0x1BFF;
	s21 =	sshll.u32 s6, $0x1;
	s3 =	sadd.s32 s4, s19  }
0x9c: {  	s7 =	simm.s32 $0x0;
	s20 =	sshll.u32 s5, $0x1;
	s5 =	sadd.s32 s21, s3  }
0x9d: {  	[timem:s7], [sflag:s22] =	dma.local [hbm:s5], s20  }
0x9e: {  	_ =	swait.ge [sflag:s22], s20  }
0x9f: {  	s4 =	ssub.s32 $0x0, s20;
	[sflag:s22] =	ssyncset.done $0x0  }
0xa0: {  	[sflag:s22] =	ssyncadd.s32 s4;
	_ =	sdelay $0x1  }
0xa1: {  	s23 =	simm.s32 $0x1B8B  }
0xa2: {  	_ =	swait.ge [sflag:s23], $0x1  }
0xa3: {  	[sflag:s23] =	ssyncset.done $0x0  }
0xa4: {  	s25 =	simm.s32 $0x1B8E;
	s24 =	sld [smem:$0x3FFE];
	[sflag:s23] =	ssyncadd.s32 $0xFFFFFFFF  }
0xa5: {  	s26 =	simm.s32 $execute0_lowered;
	[smem:$0x3FD2] =	sst s25  }
0xa6: {  	s5 =	sshll.u32 s26, $0x1;
	_ =	strace $0x80000049;
	[dreg:$0x1] =	wrdreg $0xFFFFFFFF  }
0xa7: {  	s28 =	simm.s32 $_size_execute0_lowered;
	s3 =	sadd.s32 s3, s5;
	[dreg:$0x0] =	wrdreg $0x0  }
0xa8: {  	s5 =	sshll.u32 s28, $0x1;
	[dreg:$0x2] =	wrdreg s3  }
0xa9: {  	[dreg:$0x3] =	wrdreg s5  }
0xaa: {  	[dreg:$0x4] =	wrdreg $0xC0  }
0xab: {  	_ =	task [dreg:s7], $0x5FFFF  }
0xac: {  	[dreg:$0x1] =	wrdreg $0xFFFFFFFF  }
0xad: {  	[dreg:$0x0] =	wrdreg $0x60  }
0xae: {  	[dreg:$0x2] =	wrdreg s2  }
0xaf: {  	[dreg:$0x3] =	wrdreg s24  }
0xb0: {  	[dreg:$0x4] =	wrdreg $0xA8000  }
0xb1: {  	[dreg:$0x5] =	wrdreg $0x9  }
0xb2: {  	_ =	task.clear_ibuf [dreg:s7], $0x6FFFF;
	_ =	strace $0x90000049  }
0xb3: {  	s29 =	simm.s32 $0x9;
	_ =	strace $0x8000004B  }
0xb4: {  	_ =	swait.ge [sflag:s29], $0x1  }
0xb5: {  	[sflag:s29] =	ssyncadd.s32 $0xFFFFFFFF  }
0xb6: {  	_ =	strace $0x9000004B  }
0xb7: {  	_ =	sfence  }
0xb8: {  	s30 =	sld [smem:$0x0];
	_ =	sdelay $0x2  }
0xb9: {  	s31 =	sshll.u32 s1, $0xD;
	s1 =	sshrl.u32 s1, $0x2  }
0xba: {  	s3 =	sand.u32 $0x4000, s31;
	s1 =	sadd.s32 s1, s30  }
0xbb: {  	s0 =	sor.u32 s3, s0;
	s1 =	sshll.u32 s1, $0x11  }
0xbc: {  	s0 =	sor.u32 s1, s0  }
0xbd: {  	s0 =	sadd.s32 $0x8F2B, s0  }
0xbe: {  	[sflag:s0] =	ssyncadd.remote.s32 $0x1  }
0xbf: {  	_ =	sfence.sel $0xFFFF  }
0xc0: {  	[dreg:$0x0] =	wrdreg $0xFFFFFFFF;
	(pc) =	sbr.abs _section_cstart, $3  }
0xc1: {  	[dreg:$0x1] =	wrdreg $0xFFFFFFFF  }
0xc2: {  	_ =	task.clear_ibuf [dreg:s7], $0x2FFFF;
	_ =	strace $0x9FFFFFFF  }
0xc3: {  	(tm) =	ssettm $0x7FFFFFFF  }
tec
execute0_lowered:
.L_overlay_start_1:
0x0: {  	(tag) =	ssettag $0x1  }
0x1: {  	s1 =	rddreg [dreg:$0x0]  }
0x2: {  	s6 =	rddreg [dreg:$0x1]  }
0x3: {  	s2 =	rddreg [dreg:$0x2]  }
0x4: {  	s3 =	srdreg.scid;
	s0 =	rddreg [dreg:$0x3]  }
0x5: {  	s4 =	simm.s32 $0x0;
	s17 =	simm.s32 $0x8000;
	s18 =	simm.s32 $0x2  }
0x6: {  	s19 =	simm.s32 $0x4000;
	s20 =	simm.s32 $0x50;
	s5 =	sand.u32 $0x1, s3  }
0x7: {  	s21 =	simm.s32 $0x1;
	s3 =	stileid.u32;
	s7 =	smul.u32 $0x140000, s5  }
0x8: {  	[smem:$0x7FF] =	sst s4;
	s8 =	sshll.u32 s5, $0xF;
	s10 =	smul.u32 $0x14000, s3  }
0x9: {  	s9 =	sshll.u32 s3, $0xB;
	s28 =	smul.u32 $0x50000, s3;
	s29 =	ssub.s32 $0x2, s5  }
0xa: {  	_ =	strace $0x8000004A;
	s8 =	sor.u32 s9, s8;
	s31 =	sshrl.u32 s29, $0x1  }
0xb: {  	s14 =	sadd.s32 s8, s6;
	s7 =	sadd.s32 s10, s7;
	s30 =	sshrl.u32 s28, $0x2  }
0xc: {  	s16 =	ssub.s32 s29, s31;
	s7 =	sshrl.u32 s7, $0x3;
	s5 =	sadd.s32 s30, s2  }
0xd: {  	s13 =	sadd.s32 $0x13400, s14;
	s14 =	sadd.s32 $0x3400, s14;
	s16 =	smax.u32 s16, $0x1  }
0xe: {  	s15 =	sadd.s32 s7, s6;
	s6 =	sadd.s32 $0x2800, s5;
	s7 =	sadd.s32 $0x5000, s5  }
0xf: {  	s8 =	sadd.s32 $0x7800, s5;
	s9 =	sadd.s32 $0xA000, s5;
	s10 =	sadd.s32 $0xC800, s5  }
0x10: {  	v0 =	vimm.f32 $0.0e+00;
	s11 =	sadd.s32 $0xF000, s5;
	s12 =	sadd.s32 $0x11800, s5;
	s15 =	sadd.s32 $0x73400, s15  }
.LBB2_1:
0x11: {  	s22 =	simm.s32 $0x70;
	s23 =	simm.s32 $0x3C0  }
.LBB2_2:
0x12: {  	p0 =	sne.s32 s23, $0x9FC0;
	[tilespmem:s22+$0x8000] =	vst v0  }
0x13: {  	[tilespmem:s22+$0x7F90] =	vst v0  }
0x14: {  	[tilespmem:s22+$0x7FA0] =	vst v0  }
.Ltmp0:
0x15: {  	[tilespmem:s22+$0x7FB0] =	vst v0;
	(pc) =	sbr.rel @p0 .LBB2_2-.Ltmp0, $4  }
0x16: {  	[tilespmem:s22+$0x7FC0] =	vst v0  }
0x17: {  	[tilespmem:s22+$0x7FD0] =	vst v0  }
0x18: {  	[tilespmem:s22+$0x7FE0] =	vst v0  }
0x19: {  	[tilespmem:s22+$0x7FF0] =	vst v0;
	s22 =	sshra.s32 s23, $0x2;
	s23 =	sadd.s32 $0x200, s23  }
0x1a: {  	[tilespmem:s22+$0x8000] =	vst v0  }
0x1b: {  	[tilespmem:s22+$0x7F90] =	vst v0  }
0x1c: {  	[tilespmem:s22+$0x7FA0] =	vst v0  }
0x1d: {  	[tilespmem:s22+$0x7FB0] =	vst v0  }
0x1e: {  	[tilespmem:s22+$0x7FC0] =	vst v0  }
0x1f: {  	[tilespmem:s22+$0x7FD0] =	vst v0  }
0x20: {  	[tilespmem:s22+$0x7FE0] =	vst v0  }
0x21: {  	[tilespmem:s22+$0x7FF0] =	vst v0  }
0x22: {  	[spmem:s5] =	stream.linear.scatter [tilespmem:s17], [sflag:$0x2], $0x2800, $0x38;
	[tilespmem:$0x1E800] =	vst v63  }
0x23: {  	_ =	swait.ge [sflag:s18], $0x2800  }
0x24: {  	[sflag:s18] =	ssyncset.done $0x0  }
0x25: {  	[sflag:s18] =	ssyncadd.s32 $0xFFFFD800  }
0x26: {  	[spmem:s6] =	stream.linear.scatter [tilespmem:s17], [sflag:$0x2], $0x2800, $0x38;
	[tilespmem:$0x1E800] =	vst v63  }
0x27: {  	_ =	swait.ge [sflag:s18], $0x2800  }
0x28: {  	[sflag:s18] =	ssyncset.done $0x0  }
0x29: {  	[sflag:s18] =	ssyncadd.s32 $0xFFFFD800  }
0x2a: {  	[spmem:s7] =	stream.linear.scatter [tilespmem:s17], [sflag:$0x2], $0x2800, $0x38;
	[tilespmem:$0x1E800] =	vst v63  }
0x2b: {  	_ =	swait.ge [sflag:s18], $0x2800  }
0x2c: {  	[sflag:s18] =	ssyncset.done $0x0  }
0x2d: {  	[sflag:s18] =	ssyncadd.s32 $0xFFFFD800  }
0x2e: {  	[spmem:s8] =	stream.linear.scatter [tilespmem:s17], [sflag:$0x2], $0x2800, $0x38;
	[tilespmem:$0x1E800] =	vst v63  }
0x2f: {  	_ =	swait.ge [sflag:s18], $0x2800  }
0x30: {  	[sflag:s18] =	ssyncset.done $0x0  }
0x31: {  	[sflag:s18] =	ssyncadd.s32 $0xFFFFD800  }
0x32: {  	[spmem:s9] =	stream.linear.scatter [tilespmem:s17], [sflag:$0x2], $0x2800, $0x38;
	[tilespmem:$0x1E800] =	vst v63  }
0x33: {  	_ =	swait.ge [sflag:s18], $0x2800  }
0x34: {  	[sflag:s18] =	ssyncset.done $0x0  }
0x35: {  	[sflag:s18] =	ssyncadd.s32 $0xFFFFD800  }
0x36: {  	[spmem:s10] =	stream.linear.scatter [tilespmem:s17], [sflag:$0x2], $0x2800, $0x38;
	[tilespmem:$0x1E800] =	vst v63  }
0x37: {  	_ =	swait.ge [sflag:s18], $0x2800  }
0x38: {  	[sflag:s18] =	ssyncset.done $0x0  }
0x39: {  	[sflag:s18] =	ssyncadd.s32 $0xFFFFD800  }
0x3a: {  	[spmem:s11] =	stream.linear.scatter [tilespmem:s17], [sflag:$0x2], $0x2800, $0x38;
	[tilespmem:$0x1E800] =	vst v63  }
0x3b: {  	_ =	swait.ge [sflag:s18], $0x2800  }
0x3c: {  	[sflag:s18] =	ssyncset.done $0x0  }
0x3d: {  	[sflag:s18] =	ssyncadd.s32 $0xFFFFD800  }
0x3e: {  	[spmem:s12] =	stream.linear.scatter [tilespmem:s17], [sflag:$0x2], $0x2800, $0x38;
	[tilespmem:$0x1E800] =	vst v63  }
0x3f: {  	_ =	swait.ge [sflag:s18], $0x2800  }
0x40: {  	[sflag:s18] =	ssyncset.done $0x0  }
0x41: {  	[sflag:s18] =	ssyncadd.s32 $0xFFFFD800  }
0x42: {  	s29 =	simm.s32 $0x0;
	[bflag:$0x0] =	sbarrier.arrive $0xFFFF  }
0x43: {  	[tilespmem:s29], [sflag:$0x2] =	stream.linear.gather [hbm4b:s13+s29], $0x3E80, $0x38;
	[tilespmem:$0x1E800] =	vst v63  }
0x44: {  	_ =	swait.ge [sflag:s18], $0x3E80  }
0x45: {  	[sflag:s18] =	ssyncset.done $0x0  }
0x46: {  	[sflag:s18] =	ssyncadd.s32 $0xFFFFC180  }
0x47: {  	[tilespmem:s19], [sflag:$0x2] =	stream.linear.gather [hbm4b:s14+s29], $0x3E80, $0x38;
	[tilespmem:$0x1E800] =	vst v63  }
0x48: {  	_ =	swait.ge [sflag:s18], $0x3E80  }
0x49: {  	[sflag:s18] =	ssyncset.done $0x0  }
0x4a: {  	s30 =	simm.s32 $0x0;
	[sflag:s18] =	ssyncadd.s32 $0xFFFFC180  }
0x4b: {  	[tilespmem:s17], [sflag:$0x1] =	stream.indirect.gather [hbm4b:s1+s20], $0x80, s30, s20, $0xb8;
	[tilespmem:$0x1E800] =	vst v63  }
0x4c: {  	_ =	swait.ge [sflag:s21], $0x2800  }
0x4d: {  	[sflag:s21] =	ssyncset.done $0x0  }
0x4e: {  	s31 =	simm.s32 $0x4000;
	[sflag:s21] =	ssyncadd.s32 $0xFFFFD800  }
0x4f: {  	[spmem:s2] =	stream.indirect.scatter.add.f32 [tilespmem:s17], [sflag:$0x2], $0x80, s31, s20, $0xb8;
	[tilespmem:$0x1E800] =	vst v63  }
0x50: {  	_ =	swait.ge [sflag:s18], $0x2800  }
0x51: {  	s22 =	simm.s32 $0x200;
	s23 =	simm.s32 $0x400;
	[sflag:s18] =	ssyncset.done $0x0  }
.LBB2_4:
0x52: {  	s24 =	sshra.s32 s22, $0x2  }
0x53: {  	[sflag:s18] =	ssyncadd.s32 $0xFFFFD800;
	s22 =	smov.u32 s23;
	s25 =	sadd.s32 $0x200, s23  }
0x54: {  	[tilespmem:s17], [sflag:$0x1] =	stream.indirect.gather [hbm4b:s1+s20], $0x80, s24, s20, $0xb8;
	[tilespmem:$0x1E800] =	vst v63  }
0x55: {  	p0 =	sne.s32 s23, $0xF800;
	_ =	swait.ge [sflag:s21], $0x2800  }
.Ltmp1:
0x56: {  	[sflag:s21] =	ssyncset.done $0x0;
	(pc) =	sbr.rel @p0 .LBB2_4-.Ltmp1, $4  }
0x57: {  	s23 =	sadd.s32 $0x4000, s24;
	[sflag:s21] =	ssyncadd.s32 $0xFFFFD800  }
0x58: {  	[spmem:s2] =	stream.indirect.scatter.add.f32 [tilespmem:s17], [sflag:$0x2], $0x80, s23, s20, $0xb8;
	[tilespmem:$0x1E800] =	vst v63  }
0x59: {  	_ =	swait.ge [sflag:s18], $0x2800  }
0x5a: {  	s23 =	smov.u32 s25;
	[sflag:s18] =	ssyncset.done $0x0  }
0x5b: {  	s22 =	sshra.s32 s22, $0x2;
	[sflag:s18] =	ssyncadd.s32 $0xFFFFD800  }
0x5c: {  	[tilespmem:s17], [sflag:$0x1] =	stream.indirect.gather [hbm4b:s1+s20], $0x80, s22, s20, $0xb8;
	[tilespmem:$0x1E800] =	vst v63  }
0x5d: {  	_ =	swait.ge [sflag:s21], $0x2800  }
0x5e: {  	[sflag:s21] =	ssyncset.done $0x0  }
0x5f: {  	s22 =	sadd.s32 $0x4000, s22;
	[sflag:s21] =	ssyncadd.s32 $0xFFFFD800  }
0x60: {  	[spmem:s2] =	stream.indirect.scatter.add.f32 [tilespmem:s17], [sflag:$0x2], $0x80, s22, s20, $0xb8;
	[tilespmem:$0x1E800] =	vst v63  }
0x61: {  	_ =	swait.ge [sflag:s18], $0x2800  }
0x62: {  	s31 =	sshll.u32 s3, $0x6;
	s4 =	sadd.s32 $0x1, s4;
	[sflag:s18] =	ssyncset.done $0x0  }
0x63: {  	s23 =	sshrl.u32 s5, $0x3;
	p0 =	sne.s32 s4, s16;
	[sflag:s18] =	ssyncadd.s32 $0xFFFFD800  }
.Ltmp2:
0x64: {  	s22 =	sor.u32 $0x1C02, s31;
	[bflag:$0x0] =	sbarrier.arrive $0xFFFF;
	(pc) =	sbr.rel @p0 .LBB2_1-.Ltmp2, $4  }
0x65: {  	[hbm:s15], [sflag:s22] =	dma.local [spmem:s23], $0x2800  }
0x66: {  	_ =	swait.ge [sflag:s18], $0x2800  }
0x67: {  	[sflag:s18] =	ssyncset.done $0x0  }
0x68: {  	[sflag:s18] =	ssyncadd.s32 $0xFFFFD800  }
0x69: {  	_ =	sfence.sel $0x180000  }
0x6a: {  	[bflag:$0x0] =	sbarrier.arrive $0xFFFF  }
0x6b: {  	p0 =	sne.s32 s3, $0x0;
	_ =	strace $0x9000004A  }
0x6c: {  	s0 =	sadd.s32 @!p0 $0x100000, s0;
	[bflag:$0x2] =	sbarrier.arrive $0xFFFF  }
0x6d: {  	[sflag:s0] =	ssyncadd.tile.s32 @!p0 $0x1;
	_ =	shalt  }
.Lfunc_end2:
_tile_overlayer_lowered:
.L_overlay_start_2:
0x6e: {  	(tag) =	ssettag $0x2  }
0x6f: {  	s0 =	rddreg [dreg:$0x0];
	s2 =	stileid.u32  }
0x70: {  	s1 =	rddreg [dreg:$0x1];
	p0 =	sne.s32 s2, $0x0  }
0x71: {  	s3 =	rddreg [dreg:$0x2];
	[bflag:$0x3] =	sbarrier.arrive $0xFFFF;
	s2 =	simm.s32 @!p0 $0x1C02  }
0x72: {  	[timem:s3], [sflag:s2] =	dma.local @!p0 [hbm:s0], s1  }
0x73: {  	s0 =	simm.s32 @!p0 $0x2  }
0x74: {  	_ =	swait.ge @!p0 [sflag:s0], s1  }
0x75: {  	s1 =	ssub.s32 @!p0 $0x0, s1;
	[sflag:s0] =	ssyncset.done @!p0 $0x0  }
0x76: {  	[sflag:s0] =	ssyncadd.s32 @!p0 s1  }
0x77: {  	[bflag:$0x3] =	sbarrier.arrive $0xFFFF  }
0x78: {  	_ =	shalt  }

// kernel: kernel.14.cloned.1.call-start
scs
__scs_entry_jumppad:
0x0: {  	(pc) =	sbr.rel $0x88, $3  }
0x1: {  	(tag) =	ssettag $0x0;
	lr =	simm.s32 $0x1  }
0x2: {  	[smem:$0x3F9B] =	sst lr;
	_ =	strace $0xD0000000  }
0x3: {  	_ = 	snop  }
0x4: {  	_ = 	snop  }
0x5: {  	_ = 	snop  }
0x6: {  	_ = 	snop  }
0x7: {  	_ = 	snop  }
__scs_overlays_trampoline_lowered:
0x8: {  	[smem:$0x3FAA] =	sst s0  }
0x9: {  	[smem:$0x3FAB] =	sst s1  }
0xa: {  	[smem:$0x3FAC] =	sst s2  }
0xb: {  	[smem:$0x3FAD] =	sst s3  }
0xc: {  	[smem:$0x3FAE] =	sst s4  }
0xd: {  	[smem:$0x3FAF] =	sst s5  }
0xe: {  	[smem:$0x3FB0] =	sst s6  }
0xf: {  	[smem:$0x3FB1] =	sst s7  }
0x10: {  	[smem:$0x3FB2] =	sst s8  }
0x11: {  	[smem:$0x3FB3] =	sst s9;
	s0 =	simm.s32 @!p0 $0x0  }
0x12: {  	s1 =	sld [smem:$0x3F99];
	s0 =	simm.s32 @p0 $0x1  }
0x13: {  	[smem:$0x3FB4] =	sst s0;
	s0 =	simm.s32 @!p1 $0x0  }
0x14: {  	s2 =	sld [smem:$0x3F98];
	s0 =	simm.s32 @p1 $0x1  }
0x15: {  	[smem:$0x3FB5] =	sst s0;
	s0 =	simm.s32 @!p2 $0x0  }
0x16: {  	s3 =	sld [smem:$0x3FDB];
	s0 =	simm.s32 @p2 $0x1  }
0x17: {  	s4 =	simm.s32 $0x1BF5;
	[smem:$0x3FB7] =	sst s0  }
0x18: {  	s0 =	sld [smem:$0x3F9A];
	_ =	swait.ge [sflag:s4], $0x0  }
0x19: {  	s7 =	sld [smem:$0x3F9B]  }
0x1a: {  	s8 =	sadd.s32 $0xFFFFE003, lr  }
0x1b: {  	s9 =	sadd.s32 $0xFFFFFEF7, lr;
	s5 =	simm.s32 $0xFFFFFFFF;
	p2 =	slt.u32 s8, $0xFFFFF086  }
0x1c: {  	p1 =	slt.u32 s9, $0xF7A;
	s5 =	simm.s32 @!p2 $0x0  }
0x1d: {  	s5 =	simm.s32 @p1 $0x1;
	p0 =	seq.s32 s7, s2  }
0x1e: {  	s7 =	smul.u32 @!p0 $0xF7A, s2;
	p2 =	seq.s32 @!p0 s5, $0x0  }
0x1f: {  	s9 =	smul.u32 $0xF7A, s1;
	s8 =	simm.s32 @!p0 $0x1BF5;
	p2 =	por !p2, p0  }
0x20: {  	[sflag:s8] =	ssyncset.s32 @!p0 $0xFFFFF086;
	s6 =	sadd.s32 @!p0 s3, s7;
	s7 =	simm.s32 @!p0 $0x108  }
0x21: {  	s3 =	sadd.s32 s3, s9;
	s6 =	sadd.s32 @!p0 $0x88, s6;
	s7 =	simm.s32 @p2 $0x1082  }
0x22: {  	[simem:s7], [sflag:s8] =	dma.local @!p0 [hbm:s6], $0xF7A  }
0x23: {  	s9 =	sor.u32 $0xD0000000, s2;
	s6 =	simm.s32 $0x108;
	_ =	swait.ge @!p0 [sflag:s8], $0x0  }
0x24: {  	s3 =	sadd.s32 $0x88, s3;
	s6 =	simm.s32 @!p1 $0x1082;
	[sflag:s4] =	ssyncset.s32 $0xFFFFF086  }
0x25: {  	[simem:s6], [sflag:s4] =	dma.local [hbm:s3], $0xF7A  }
0x26: {  	[smem:$0x3F9B] =	sst s1;
	(tag) =	ssettag s2;
	_ =	strace s9  }
0x27: {  	s1 =	sld [smem:$0x3FAB]  }
0x28: {  	s2 =	sld [smem:$0x3FAC]  }
0x29: {  	s4 =	sld [smem:$0x3FAE]  }
0x2a: {  	p0 =	seq.s32 s5, $0x0;
	s5 =	sld [smem:$0x3FAF]  }
0x2b: {  	s6 =	sld [smem:$0x3FB0]  }
0x2c: {  	s7 =	sld [smem:$0x3FB1]  }
0x2d: {  	s3 =	simm.s32 $0x108;
	s8 =	sld [smem:$0x3FB2]  }
0x2e: {  	s3 =	simm.s32 @!p0 $0x1082;
	s9 =	sld [smem:$0x3FB3]  }
0x2f: {  	lr =	sadd.s32 s0, s3;
	s0 =	sld [smem:$0x3FAA]  }
0x30: {  	s3 =	sld [smem:$0x3FAD]  }
0x31: {  	[smem:$0x3FB6] =	sst s10  }
0x32: {  	s10 =	sld [smem:$0x3FB4];
	_ =	sdelay $0x3  }
0x33: {  	p0 =	seq.s32 s10, $0x1;
	s10 =	sld [smem:$0x3FB6];
	_ =	sdelay $0x3  }
0x34: {  	[smem:$0x3FB6] =	sst s10  }
0x35: {  	s10 =	sld [smem:$0x3FB5];
	_ =	sdelay $0x3  }
0x36: {  	p1 =	seq.s32 s10, $0x1;
	s10 =	sld [smem:$0x3FB6];
	_ =	sdelay $0x3  }
0x37: {  	[smem:$0x3FB6] =	sst s10  }
0x38: {  	s10 =	sld [smem:$0x3FB7]  }
0x39: {  	_ = 	snop;
	(pc) =	sbr.ind lr, $3  }
0x3a: {  	_ = 	snop  }
0x3b: {  	_ = 	snop  }
0x3c: {  	p2 =	seq.s32 s10, $0x1;
	s10 =	sld [smem:$0x3FB6]  }
0x3d: {  	_ =	shalt  }
0x3e: {  	_ =	shalt  }
0x3f: {  	_ =	shalt  }
0x40: {  	_ =	shalt  }
0x41: {  	_ =	shalt  }
0x42: {  	_ =	shalt  }
0x43: {  	_ =	shalt  }
0x44: {  	_ =	shalt  }
0x45: {  	_ =	shalt  }
0x46: {  	_ =	shalt  }
0x47: {  	_ =	shalt  }
0x48: {  	_ =	shalt  }
0x49: {  	_ =	shalt  }
0x4a: {  	_ =	shalt  }
0x4b: {  	_ =	shalt  }
0x4c: {  	_ =	shalt  }
0x4d: {  	_ =	shalt  }
0x4e: {  	_ =	shalt  }
0x4f: {  	_ =	shalt  }
0x50: {  	_ =	shalt  }
0x51: {  	_ =	shalt  }
0x52: {  	_ =	shalt  }
0x53: {  	_ =	shalt  }
0x54: {  	_ =	shalt  }
0x55: {  	_ =	shalt  }
0x56: {  	_ =	shalt  }
0x57: {  	_ =	shalt  }
0x58: {  	_ =	shalt  }
0x59: {  	_ =	shalt  }
0x5a: {  	_ =	shalt  }
0x5b: {  	_ =	shalt  }
0x5c: {  	_ =	shalt  }
0x5d: {  	_ =	shalt  }
0x5e: {  	_ =	shalt  }
0x5f: {  	_ =	shalt  }
0x60: {  	_ =	shalt  }
0x61: {  	_ =	shalt  }
0x62: {  	_ =	shalt  }
0x63: {  	_ =	shalt  }
0x64: {  	_ =	shalt  }
0x65: {  	_ =	shalt  }
0x66: {  	_ =	shalt  }
0x67: {  	_ =	shalt  }
0x68: {  	_ =	shalt  }
0x69: {  	_ =	shalt  }
0x6a: {  	_ =	shalt  }
0x6b: {  	_ =	shalt  }
0x6c: {  	_ =	shalt  }
0x6d: {  	_ =	shalt  }
0x6e: {  	_ =	shalt  }
0x6f: {  	_ =	shalt  }
0x70: {  	_ =	shalt  }
0x71: {  	_ =	shalt  }
0x72: {  	_ =	shalt  }
0x73: {  	_ =	shalt  }
0x74: {  	_ =	shalt  }
0x75: {  	_ =	shalt  }
0x76: {  	_ =	shalt  }
0x77: {  	_ =	shalt  }
0x78: {  	_ =	shalt  }
0x79: {  	_ =	shalt  }
0x7a: {  	_ =	shalt  }
0x7b: {  	_ =	shalt  }
0x7c: {  	_ =	shalt  }
0x7d: {  	_ =	shalt  }
0x7e: {  	_ =	shalt  }
0x7f: {  	_ =	shalt  }
0x80: {  	_ =	shalt  }
0x81: {  	_ =	shalt  }
0x82: {  	_ =	shalt  }
0x83: {  	_ =	shalt  }
0x84: {  	_ =	shalt  }
0x85: {  	_ =	shalt  }
0x86: {  	_ =	shalt  }
0x87: {  	_ =	shalt  }
.Lfunc_end0:
.L_simem_size_0:
called_computation.2_lowered:
.L_overlay_start_0:
0x88: {  	s2 =	sld [smem:$0x3FD9]  }
0x89: {  	s3 =	sld [smem:$0x3FFE];
	_ =	sdelay $0x1  }
0x8a: {  	s1 =	srdreg.scid  }
0x8b: {  	s0 =	sand.u32 $0x1, s1  }
0x8c: {  	s17 =	sshll.u32 s0, $0xA;
	s2 =	sadd.s32 s3, s2  }
0x8d: {  	s2 =	sadd.s32 s2, s17  }
0x8e: {  	[smem:$0x3FC2] =	sst s2  }
0x8f: {  	_ = 	snop  }
0x90: {  	s2 =	sld [smem:$0x3FD0];
	(tm) =	ssettm $0x1  }
0x91: {  	s18 =	sld [smem:$0x3FFB];
	_ =	sdelay $0x3  }
0x92: {  	_ =	strace s18  }
0x93: {  	s3 =	sld [smem:$0x3FFC];
	_ =	sdelay $0x3  }
0x94: {  	_ =	strace s3  }
0x95: {  	s3 =	sld [smem:$0x3FFD];
	_ =	sdelay $0x3  }
0x96: {  	_ =	strace s3  }
0x97: {  	_ =	strace $0x8FFFFFFF  }
0x98: {  	s19 =	sld [smem:$0x3FDB];
	_ =	sdelay $0x1  }
0x99: {  	s4 =	simm.s32 $_scs_section_size  }
0x9a: {  	s5 =	simm.s32 $_size__tile_overlayer_lowered;
	s6 =	simm.s32 $_tile_overlayer_lowered  }
0x9b: {  	s22 =	simm.s32 $0x1BFF;
	s21 =	sshll.u32 s6, $0x1;
	s3 =	sadd.s32 s4, s19  }
0x9c: {  	s7 =	simm.s32 $0x0;
	s20 =	sshll.u32 s5, $0x1;
	s5 =	sadd.s32 s21, s3  }
0x9d: {  	[timem:s7], [sflag:s22] =	dma.local [hbm:s5], s20  }
0x9e: {  	_ =	swait.ge [sflag:s22], s20  }
0x9f: {  	s4 =	ssub.s32 $0x0, s20;
	[sflag:s22] =	ssyncset.done $0x0  }
0xa0: {  	[sflag:s22] =	ssyncadd.s32 s4;
	_ =	sdelay $0x1  }
0xa1: {  	s23 =	simm.s32 $0x1B8B  }
0xa2: {  	_ =	swait.ge [sflag:s23], $0x1  }
0xa3: {  	[sflag:s23] =	ssyncset.done $0x0  }
0xa4: {  	s25 =	simm.s32 $0x1B8E;
	s24 =	sld [smem:$0x3FFE];
	[sflag:s23] =	ssyncadd.s32 $0xFFFFFFFF  }
0xa5: {  	s26 =	simm.s32 $execute0_lowered;
	[smem:$0x3FD2] =	sst s25  }
0xa6: {  	s5 =	sshll.u32 s26, $0x1;
	_ =	strace $0x8000004C;
	[dreg:$0x1] =	wrdreg $0xFFFFFFFF  }
0xa7: {  	s28 =	simm.s32 $_size_execute0_lowered;
	s3 =	sadd.s32 s3, s5;
	[dreg:$0x0] =	wrdreg $0x0  }
0xa8: {  	s5 =	sshll.u32 s28, $0x1;
	[dreg:$0x2] =	wrdreg s3  }
0xa9: {  	[dreg:$0x3] =	wrdreg s5  }
0xaa: {  	[dreg:$0x4] =	wrdreg $0xC0  }
0xab: {  	_ =	task [dreg:s7], $0x5FFFF  }
0xac: {  	[dreg:$0x1] =	wrdreg $0xFFFFFFFF  }
0xad: {  	[dreg:$0x0] =	wrdreg $0x60  }
0xae: {  	[dreg:$0x2] =	wrdreg s2  }
0xaf: {  	[dreg:$0x3] =	wrdreg s24  }
0xb0: {  	[dreg:$0x4] =	wrdreg $0xA8000  }
0xb1: {  	[dreg:$0x5] =	wrdreg $0x9  }
0xb2: {  	_ =	task.clear_ibuf [dreg:s7], $0x6FFFF;
	_ =	strace $0x9000004C  }
0xb3: {  	s29 =	simm.s32 $0x9;
	_ =	strace $0x8000004E  }
0xb4: {  	_ =	swait.ge [sflag:s29], $0x1  }
0xb5: {  	[sflag:s29] =	ssyncadd.s32 $0xFFFFFFFF  }
0xb6: {  	_ =	strace $0x9000004E  }
0xb7: {  	_ =	sfence  }
0xb8: {  	s30 =	sld [smem:$0x0];
	_ =	sdelay $0x2  }
0xb9: {  	s31 =	sshll.u32 s1, $0xD;
	s1 =	sshrl.u32 s1, $0x2  }
0xba: {  	s3 =	sand.u32 $0x4000, s31;
	s1 =	sadd.s32 s1, s30  }
0xbb: {  	s0 =	sor.u32 s3, s0;
	s1 =	sshll.u32 s1, $0x11  }
0xbc: {  	s0 =	sor.u32 s1, s0  }
0xbd: {  	s0 =	sadd.s32 $0x8F2B, s0  }
0xbe: {  	[sflag:s0] =	ssyncadd.remote.s32 $0x1  }
0xbf: {  	_ =	sfence.sel $0xFFFF  }
0xc0: {  	[dreg:$0x0] =	wrdreg $0xFFFFFFFF;
	(pc) =	sbr.abs _section_cstart, $3  }
0xc1: {  	[dreg:$0x1] =	wrdreg $0xFFFFFFFF  }
0xc2: {  	_ =	task.clear_ibuf [dreg:s7], $0x2FFFF;
	_ =	strace $0x9FFFFFFF  }
0xc3: {  	(tm) =	ssettm $0x7FFFFFFF  }
tec
execute0_lowered:
.L_overlay_start_1:
0x0: {  	(tag) =	ssettag $0x1  }
0x1: {  	s1 =	rddreg [dreg:$0x0]  }
0x2: {  	s6 =	rddreg [dreg:$0x1]  }
0x3: {  	s2 =	rddreg [dreg:$0x2]  }
0x4: {  	s3 =	srdreg.scid;
	s0 =	rddreg [dreg:$0x3]  }
0x5: {  	s4 =	simm.s32 $0x0;
	s17 =	simm.s32 $0x8000;
	s18 =	simm.s32 $0x2  }
0x6: {  	s19 =	simm.s32 $0x4000;
	s20 =	simm.s32 $0x50;
	s5 =	sand.u32 $0x1, s3  }
0x7: {  	s21 =	simm.s32 $0x1;
	s3 =	stileid.u32;
	s7 =	smul.u32 $0x140000, s5  }
0x8: {  	[smem:$0x7FF] =	sst s4;
	s8 =	sshll.u32 s5, $0xF;
	s10 =	smul.u32 $0x14000, s3  }
0x9: {  	s9 =	sshll.u32 s3, $0xB;
	s28 =	smul.u32 $0x50000, s3;
	s29 =	ssub.s32 $0x2, s5  }
0xa: {  	_ =	strace $0x8000004D;
	s8 =	sor.u32 s9, s8;
	s31 =	sshrl.u32 s29, $0x1  }
0xb: {  	s14 =	sadd.s32 s8, s6;
	s7 =	sadd.s32 s10, s7;
	s30 =	sshrl.u32 s28, $0x2  }
0xc: {  	s16 =	ssub.s32 s29, s31;
	s7 =	sshrl.u32 s7, $0x3;
	s5 =	sadd.s32 s30, s2  }
0xd: {  	s13 =	sadd.s32 $0x13400, s14;
	s14 =	sadd.s32 $0x3400, s14;
	s16 =	smax.u32 s16, $0x1  }
0xe: {  	s15 =	sadd.s32 s7, s6;
	s6 =	sadd.s32 $0x2800, s5;
	s7 =	sadd.s32 $0x5000, s5  }
0xf: {  	s8 =	sadd.s32 $0x7800, s5;
	s9 =	sadd.s32 $0xA000, s5;
	s10 =	sadd.s32 $0xC800, s5  }
0x10: {  	v0 =	vimm.f32 $0.0e+00;
	s11 =	sadd.s32 $0xF000, s5;
	s12 =	sadd.s32 $0x11800, s5;
	s15 =	sadd.s32 $0x73400, s15  }
.LBB2_1:
0x11: {  	s22 =	simm.s32 $0x70;
	s23 =	simm.s32 $0x3C0  }
.LBB2_2:
0x12: {  	p0 =	sne.s32 s23, $0x9FC0;
	[tilespmem:s22+$0x8000] =	vst v0  }
0x13: {  	[tilespmem:s22+$0x7F90] =	vst v0  }
0x14: {  	[tilespmem:s22+$0x7FA0] =	vst v0  }
.Ltmp0:
0x15: {  	[tilespmem:s22+$0x7FB0] =	vst v0;
	(pc) =	sbr.rel @p0 .LBB2_2-.Ltmp0, $4  }
0x16: {  	[tilespmem:s22+$0x7FC0] =	vst v0  }
0x17: {  	[tilespmem:s22+$0x7FD0] =	vst v0  }
0x18: {  	[tilespmem:s22+$0x7FE0] =	vst v0  }
0x19: {  	[tilespmem:s22+$0x7FF0] =	vst v0;
	s22 =	sshra.s32 s23, $0x2;
	s23 =	sadd.s32 $0x200, s23  }
0x1a: {  	[tilespmem:s22+$0x8000] =	vst v0  }
0x1b: {  	[tilespmem:s22+$0x7F90] =	vst v0  }
0x1c: {  	[tilespmem:s22+$0x7FA0] =	vst v0  }
0x1d: {  	[tilespmem:s22+$0x7FB0] =	vst v0  }
0x1e: {  	[tilespmem:s22+$0x7FC0] =	vst v0  }
0x1f: {  	[tilespmem:s22+$0x7FD0] =	vst v0  }
0x20: {  	[tilespmem:s22+$0x7FE0] =	vst v0  }
0x21: {  	[tilespmem:s22+$0x7FF0] =	vst v0  }
0x22: {  	[spmem:s5] =	stream.linear.scatter [tilespmem:s17], [sflag:$0x2], $0x2800, $0x38;
	[tilespmem:$0x1E800] =	vst v63  }
0x23: {  	_ =	swait.ge [sflag:s18], $0x2800  }
0x24: {  	[sflag:s18] =	ssyncset.done $0x0  }
0x25: {  	[sflag:s18] =	ssyncadd.s32 $0xFFFFD800  }
0x26: {  	[spmem:s6] =	stream.linear.scatter [tilespmem:s17], [sflag:$0x2], $0x2800, $0x38;
	[tilespmem:$0x1E800] =	vst v63  }
0x27: {  	_ =	swait.ge [sflag:s18], $0x2800  }
0x28: {  	[sflag:s18] =	ssyncset.done $0x0  }
0x29: {  	[sflag:s18] =	ssyncadd.s32 $0xFFFFD800  }
0x2a: {  	[spmem:s7] =	stream.linear.scatter [tilespmem:s17], [sflag:$0x2], $0x2800, $0x38;
	[tilespmem:$0x1E800] =	vst v63  }
0x2b: {  	_ =	swait.ge [sflag:s18], $0x2800  }
0x2c: {  	[sflag:s18] =	ssyncset.done $0x0  }
0x2d: {  	[sflag:s18] =	ssyncadd.s32 $0xFFFFD800  }
0x2e: {  	[spmem:s8] =	stream.linear.scatter [tilespmem:s17], [sflag:$0x2], $0x2800, $0x38;
	[tilespmem:$0x1E800] =	vst v63  }
0x2f: {  	_ =	swait.ge [sflag:s18], $0x2800  }
0x30: {  	[sflag:s18] =	ssyncset.done $0x0  }
0x31: {  	[sflag:s18] =	ssyncadd.s32 $0xFFFFD800  }
0x32: {  	[spmem:s9] =	stream.linear.scatter [tilespmem:s17], [sflag:$0x2], $0x2800, $0x38;
	[tilespmem:$0x1E800] =	vst v63  }
0x33: {  	_ =	swait.ge [sflag:s18], $0x2800  }
0x34: {  	[sflag:s18] =	ssyncset.done $0x0  }
0x35: {  	[sflag:s18] =	ssyncadd.s32 $0xFFFFD800  }
0x36: {  	[spmem:s10] =	stream.linear.scatter [tilespmem:s17], [sflag:$0x2], $0x2800, $0x38;
	[tilespmem:$0x1E800] =	vst v63  }
0x37: {  	_ =	swait.ge [sflag:s18], $0x2800  }
0x38: {  	[sflag:s18] =	ssyncset.done $0x0  }
0x39: {  	[sflag:s18] =	ssyncadd.s32 $0xFFFFD800  }
0x3a: {  	[spmem:s11] =	stream.linear.scatter [tilespmem:s17], [sflag:$0x2], $0x2800, $0x38;
	[tilespmem:$0x1E800] =	vst v63  }
0x3b: {  	_ =	swait.ge [sflag:s18], $0x2800  }
0x3c: {  	[sflag:s18] =	ssyncset.done $0x0  }
0x3d: {  	[sflag:s18] =	ssyncadd.s32 $0xFFFFD800  }
0x3e: {  	[spmem:s12] =	stream.linear.scatter [tilespmem:s17], [sflag:$0x2], $0x2800, $0x38;
	[tilespmem:$0x1E800] =	vst v63  }
0x3f: {  	_ =	swait.ge [sflag:s18], $0x2800  }
0x40: {  	[sflag:s18] =	ssyncset.done $0x0  }
0x41: {  	[sflag:s18] =	ssyncadd.s32 $0xFFFFD800  }
0x42: {  	s29 =	simm.s32 $0x0;
	[bflag:$0x0] =	sbarrier.arrive $0xFFFF  }
0x43: {  	[tilespmem:s29], [sflag:$0x2] =	stream.linear.gather [hbm4b:s13+s29], $0x3E80, $0x38;
	[tilespmem:$0x1E800] =	vst v63  }
0x44: {  	_ =	swait.ge [sflag:s18], $0x3E80  }
0x45: {  	[sflag:s18] =	ssyncset.done $0x0  }
0x46: {  	[sflag:s18] =	ssyncadd.s32 $0xFFFFC180  }
0x47: {  	[tilespmem:s19], [sflag:$0x2] =	stream.linear.gather [hbm4b:s14+s29], $0x3E80, $0x38;
	[tilespmem:$0x1E800] =	vst v63  }
0x48: {  	_ =	swait.ge [sflag:s18], $0x3E80  }
0x49: {  	[sflag:s18] =	ssyncset.done $0x0  }
0x4a: {  	s30 =	simm.s32 $0x0;
	[sflag:s18] =	ssyncadd.s32 $0xFFFFC180  }
0x4b: {  	[tilespmem:s17], [sflag:$0x1] =	stream.indirect.gather [hbm4b:s1+s20], $0x80, s30, s20, $0xb8;
	[tilespmem:$0x1E800] =	vst v63  }
0x4c: {  	_ =	swait.ge [sflag:s21], $0x2800  }
0x4d: {  	[sflag:s21] =	ssyncset.done $0x0  }
0x4e: {  	s31 =	simm.s32 $0x4000;
	[sflag:s21] =	ssyncadd.s32 $0xFFFFD800  }
0x4f: {  	[spmem:s2] =	stream.indirect.scatter.add.f32 [tilespmem:s17], [sflag:$0x2], $0x80, s31, s20, $0xb8;
	[tilespmem:$0x1E800] =	vst v63  }
0x50: {  	_ =	swait.ge [sflag:s18], $0x2800  }
0x51: {  	s22 =	simm.s32 $0x200;
	s23 =	simm.s32 $0x400;
	[sflag:s18] =	ssyncset.done $0x0  }
.LBB2_4:
0x52: {  	s24 =	sshra.s32 s22, $0x2  }
0x53: {  	[sflag:s18] =	ssyncadd.s32 $0xFFFFD800;
	s22 =	smov.u32 s23;
	s25 =	sadd.s32 $0x200, s23  }
0x54: {  	[tilespmem:s17], [sflag:$0x1] =	stream.indirect.gather [hbm4b:s1+s20], $0x80, s24, s20, $0xb8;
	[tilespmem:$0x1E800] =	vst v63  }
0x55: {  	p0 =	sne.s32 s23, $0xF800;
	_ =	swait.ge [sflag:s21], $0x2800  }
.Ltmp1:
0x56: {  	[sflag:s21] =	ssyncset.done $0x0;
	(pc) =	sbr.rel @p0 .LBB2_4-.Ltmp1, $4  }
0x57: {  	s23 =	sadd.s32 $0x4000, s24;
	[sflag:s21] =	ssyncadd.s32 $0xFFFFD800  }
0x58: {  	[spmem:s2] =	stream.indirect.scatter.add.f32 [tilespmem:s17], [sflag:$0x2], $0x80, s23, s20, $0xb8;
	[tilespmem:$0x1E800] =	vst v63  }
0x59: {  	_ =	swait.ge [sflag:s18], $0x2800  }
0x5a: {  	s23 =	smov.u32 s25;
	[sflag:s18] =	ssyncset.done $0x0  }
0x5b: {  	s22 =	sshra.s32 s22, $0x2;
	[sflag:s18] =	ssyncadd.s32 $0xFFFFD800  }
0x5c: {  	[tilespmem:s17], [sflag:$0x1] =	stream.indirect.gather [hbm4b:s1+s20], $0x80, s22, s20, $0xb8;
	[tilespmem:$0x1E800] =	vst v63  }
0x5d: {  	_ =	swait.ge [sflag:s21], $0x2800  }
0x5e: {  	[sflag:s21] =	ssyncset.done $0x0  }
0x5f: {  	s22 =	sadd.s32 $0x4000, s22;
	[sflag:s21] =	ssyncadd.s32 $0xFFFFD800  }
0x60: {  	[spmem:s2] =	stream.indirect.scatter.add.f32 [tilespmem:s17], [sflag:$0x2], $0x80, s22, s20, $0xb8;
	[tilespmem:$0x1E800] =	vst v63  }
0x61: {  	_ =	swait.ge [sflag:s18], $0x2800  }
0x62: {  	s31 =	sshll.u32 s3, $0x6;
	s4 =	sadd.s32 $0x1, s4;
	[sflag:s18] =	ssyncset.done $0x0  }
0x63: {  	s23 =	sshrl.u32 s5, $0x3;
	p0 =	sne.s32 s4, s16;
	[sflag:s18] =	ssyncadd.s32 $0xFFFFD800  }
.Ltmp2:
0x64: {  	s22 =	sor.u32 $0x1C02, s31;
	[bflag:$0x0] =	sbarrier.arrive $0xFFFF;
	(pc) =	sbr.rel @p0 .LBB2_1-.Ltmp2, $4  }
0x65: {  	[hbm:s15], [sflag:s22] =	dma.local [spmem:s23], $0x2800  }
0x66: {  	_ =	swait.ge [sflag:s18], $0x2800  }
0x67: {  	[sflag:s18] =	ssyncset.done $0x0  }
0x68: {  	[sflag:s18] =	ssyncadd.s32 $0xFFFFD800  }
0x69: {  	_ =	sfence.sel $0x180000  }
0x6a: {  	[bflag:$0x0] =	sbarrier.arrive $0xFFFF  }
0x6b: {  	p0 =	sne.s32 s3, $0x0;
	_ =	strace $0x9000004D  }
0x6c: {  	s0 =	sadd.s32 @!p0 $0x100000, s0;
	[bflag:$0x2] =	sbarrier.arrive $0xFFFF  }
0x6d: {  	[sflag:s0] =	ssyncadd.tile.s32 @!p0 $0x1;
	_ =	shalt  }
.Lfunc_end2:
_tile_overlayer_lowered:
.L_overlay_start_2:
0x6e: {  	(tag) =	ssettag $0x2  }
0x6f: {  	s0 =	rddreg [dreg:$0x0];
	s2 =	stileid.u32  }
0x70: {  	s1 =	rddreg [dreg:$0x1];
	p0 =	sne.s32 s2, $0x0  }
0x71: {  	s3 =	rddreg [dreg:$0x2];
	[bflag:$0x3] =	sbarrier.arrive $0xFFFF;
	s2 =	simm.s32 @!p0 $0x1C02  }
0x72: {  	[timem:s3], [sflag:s2] =	dma.local @!p0 [hbm:s0], s1  }
0x73: {  	s0 =	simm.s32 @!p0 $0x2  }
0x74: {  	_ =	swait.ge @!p0 [sflag:s0], s1  }
0x75: {  	s1 =	ssub.s32 @!p0 $0x0, s1;
	[sflag:s0] =	ssyncset.done @!p0 $0x0  }
0x76: {  	[sflag:s0] =	ssyncadd.s32 @!p0 s1  }
0x77: {  	[bflag:$0x3] =	sbarrier.arrive $0xFFFF  }
0x78: {  	_ =	shalt  }

// kernel: kernel.8.cloned.1.call-start
scs
__scs_entry_jumppad:
0x0: {  	(pc) =	sbr.rel $0x88, $3  }
0x1: {  	(tag) =	ssettag $0x0;
	lr =	simm.s32 $0x1  }
0x2: {  	[smem:$0x3F9B] =	sst lr;
	_ =	strace $0xD0000000  }
0x3: {  	_ = 	snop  }
0x4: {  	_ = 	snop  }
0x5: {  	_ = 	snop  }
0x6: {  	_ = 	snop  }
0x7: {  	_ = 	snop  }
__scs_overlays_trampoline_lowered:
0x8: {  	[smem:$0x3FAA] =	sst s0  }
0x9: {  	[smem:$0x3FAB] =	sst s1  }
0xa: {  	[smem:$0x3FAC] =	sst s2  }
0xb: {  	[smem:$0x3FAD] =	sst s3  }
0xc: {  	[smem:$0x3FAE] =	sst s4  }
0xd: {  	[smem:$0x3FAF] =	sst s5  }
0xe: {  	[smem:$0x3FB0] =	sst s6  }
0xf: {  	[smem:$0x3FB1] =	sst s7  }
0x10: {  	[smem:$0x3FB2] =	sst s8  }
0x11: {  	[smem:$0x3FB3] =	sst s9;
	s0 =	simm.s32 @!p0 $0x0  }
0x12: {  	s1 =	sld [smem:$0x3F99];
	s0 =	simm.s32 @p0 $0x1  }
0x13: {  	[smem:$0x3FB4] =	sst s0;
	s0 =	simm.s32 @!p1 $0x0  }
0x14: {  	s2 =	sld [smem:$0x3F98];
	s0 =	simm.s32 @p1 $0x1  }
0x15: {  	[smem:$0x3FB5] =	sst s0;
	s0 =	simm.s32 @!p2 $0x0  }
0x16: {  	s3 =	sld [smem:$0x3FDB];
	s0 =	simm.s32 @p2 $0x1  }
0x17: {  	s4 =	simm.s32 $0x1BF5;
	[smem:$0x3FB7] =	sst s0  }
0x18: {  	s0 =	sld [smem:$0x3F9A];
	_ =	swait.ge [sflag:s4], $0x0  }
0x19: {  	s7 =	sld [smem:$0x3F9B]  }
0x1a: {  	s8 =	sadd.s32 $0xFFFFE003, lr  }
0x1b: {  	s9 =	sadd.s32 $0xFFFFFEF7, lr;
	s5 =	simm.s32 $0xFFFFFFFF;
	p2 =	slt.u32 s8, $0xFFFFF086  }
0x1c: {  	p1 =	slt.u32 s9, $0xF7A;
	s5 =	simm.s32 @!p2 $0x0  }
0x1d: {  	s5 =	simm.s32 @p1 $0x1;
	p0 =	seq.s32 s7, s2  }
0x1e: {  	s7 =	smul.u32 @!p0 $0xF7A, s2;
	p2 =	seq.s32 @!p0 s5, $0x0  }
0x1f: {  	s9 =	smul.u32 $0xF7A, s1;
	s8 =	simm.s32 @!p0 $0x1BF5;
	p2 =	por !p2, p0  }
0x20: {  	[sflag:s8] =	ssyncset.s32 @!p0 $0xFFFFF086;
	s6 =	sadd.s32 @!p0 s3, s7;
	s7 =	simm.s32 @!p0 $0x108  }
0x21: {  	s3 =	sadd.s32 s3, s9;
	s6 =	sadd.s32 @!p0 $0x88, s6;
	s7 =	simm.s32 @p2 $0x1082  }
0x22: {  	[simem:s7], [sflag:s8] =	dma.local @!p0 [hbm:s6], $0xF7A  }
0x23: {  	s9 =	sor.u32 $0xD0000000, s2;
	s6 =	simm.s32 $0x108;
	_ =	swait.ge @!p0 [sflag:s8], $0x0  }
0x24: {  	s3 =	sadd.s32 $0x88, s3;
	s6 =	simm.s32 @!p1 $0x1082;
	[sflag:s4] =	ssyncset.s32 $0xFFFFF086  }
0x25: {  	[simem:s6], [sflag:s4] =	dma.local [hbm:s3], $0xF7A  }
0x26: {  	[smem:$0x3F9B] =	sst s1;
	(tag) =	ssettag s2;
	_ =	strace s9  }
0x27: {  	s1 =	sld [smem:$0x3FAB]  }
0x28: {  	s2 =	sld [smem:$0x3FAC]  }
0x29: {  	s4 =	sld [smem:$0x3FAE]  }
0x2a: {  	p0 =	seq.s32 s5, $0x0;
	s5 =	sld [smem:$0x3FAF]  }
0x2b: {  	s6 =	sld [smem:$0x3FB0]  }
0x2c: {  	s7 =	sld [smem:$0x3FB1]  }
0x2d: {  	s3 =	simm.s32 $0x108;
	s8 =	sld [smem:$0x3FB2]  }
0x2e: {  	s3 =	simm.s32 @!p0 $0x1082;
	s9 =	sld [smem:$0x3FB3]  }
0x2f: {  	lr =	sadd.s32 s0, s3;
	s0 =	sld [smem:$0x3FAA]  }
0x30: {  	s3 =	sld [smem:$0x3FAD]  }
0x31: {  	[smem:$0x3FB6] =	sst s10  }
0x32: {  	s10 =	sld [smem:$0x3FB4];
	_ =	sdelay $0x3  }
0x33: {  	p0 =	seq.s32 s10, $0x1;
	s10 =	sld [smem:$0x3FB6];
	_ =	sdelay $0x3  }
0x34: {  	[smem:$0x3FB6] =	sst s10  }
0x35: {  	s10 =	sld [smem:$0x3FB5];
	_ =	sdelay $0x3  }
0x36: {  	p1 =	seq.s32 s10, $0x1;
	s10 =	sld [smem:$0x3FB6];
	_ =	sdelay $0x3  }
0x37: {  	[smem:$0x3FB6] =	sst s10  }
0x38: {  	s10 =	sld [smem:$0x3FB7]  }
0x39: {  	_ = 	snop;
	(pc) =	sbr.ind lr, $3  }
0x3a: {  	_ = 	snop  }
0x3b: {  	_ = 	snop  }
0x3c: {  	p2 =	seq.s32 s10, $0x1;
	s10 =	sld [smem:$0x3FB6]  }
0x3d: {  	_ =	shalt  }
0x3e: {  	_ =	shalt  }
0x3f: {  	_ =	shalt  }
0x40: {  	_ =	shalt  }
0x41: {  	_ =	shalt  }
0x42: {  	_ =	shalt  }
0x43: {  	_ =	shalt  }
0x44: {  	_ =	shalt  }
0x45: {  	_ =	shalt  }
0x46: {  	_ =	shalt  }
0x47: {  	_ =	shalt  }
0x48: {  	_ =	shalt  }
0x49: {  	_ =	shalt  }
0x4a: {  	_ =	shalt  }
0x4b: {  	_ =	shalt  }
0x4c: {  	_ =	shalt  }
0x4d: {  	_ =	shalt  }
0x4e: {  	_ =	shalt  }
0x4f: {  	_ =	shalt  }
0x50: {  	_ =	shalt  }
0x51: {  	_ =	shalt  }
0x52: {  	_ =	shalt  }
0x53: {  	_ =	shalt  }
0x54: {  	_ =	shalt  }
0x55: {  	_ =	shalt  }
0x56: {  	_ =	shalt  }
0x57: {  	_ =	shalt  }
0x58: {  	_ =	shalt  }
0x59: {  	_ =	shalt  }
0x5a: {  	_ =	shalt  }
0x5b: {  	_ =	shalt  }
0x5c: {  	_ =	shalt  }
0x5d: {  	_ =	shalt  }
0x5e: {  	_ =	shalt  }
0x5f: {  	_ =	shalt  }
0x60: {  	_ =	shalt  }
0x61: {  	_ =	shalt  }
0x62: {  	_ =	shalt  }
0x63: {  	_ =	shalt  }
0x64: {  	_ =	shalt  }
0x65: {  	_ =	shalt  }
0x66: {  	_ =	shalt  }
0x67: {  	_ =	shalt  }
0x68: {  	_ =	shalt  }
0x69: {  	_ =	shalt  }
0x6a: {  	_ =	shalt  }
0x6b: {  	_ =	shalt  }
0x6c: {  	_ =	shalt  }
0x6d: {  	_ =	shalt  }
0x6e: {  	_ =	shalt  }
0x6f: {  	_ =	shalt  }
0x70: {  	_ =	shalt  }
0x71: {  	_ =	shalt  }
0x72: {  	_ =	shalt  }
0x73: {  	_ =	shalt  }
0x74: {  	_ =	shalt  }
0x75: {  	_ =	shalt  }
0x76: {  	_ =	shalt  }
0x77: {  	_ =	shalt  }
0x78: {  	_ =	shalt  }
0x79: {  	_ =	shalt  }
0x7a: {  	_ =	shalt  }
0x7b: {  	_ =	shalt  }
0x7c: {  	_ =	shalt  }
0x7d: {  	_ =	shalt  }
0x7e: {  	_ =	shalt  }
0x7f: {  	_ =	shalt  }
0x80: {  	_ =	shalt  }
0x81: {  	_ =	shalt  }
0x82: {  	_ =	shalt  }
0x83: {  	_ =	shalt  }
0x84: {  	_ =	shalt  }
0x85: {  	_ =	shalt  }
0x86: {  	_ =	shalt  }
0x87: {  	_ =	shalt  }
.Lfunc_end0:
.L_simem_size_0:
called_computation_lowered:
.L_overlay_start_0:
0x88: {  	s2 =	sld [smem:$0x3FD9]  }
0x89: {  	s3 =	sld [smem:$0x3FFE];
	_ =	sdelay $0x1  }
0x8a: {  	s1 =	srdreg.scid  }
0x8b: {  	s0 =	sand.u32 $0x1, s1  }
0x8c: {  	s17 =	sshll.u32 s0, $0xA;
	s2 =	sadd.s32 s3, s2  }
0x8d: {  	s2 =	sadd.s32 s2, s17  }
0x8e: {  	[smem:$0x3FC2] =	sst s2  }
0x8f: {  	_ = 	snop  }
0x90: {  	s2 =	sld [smem:$0x3FD0];
	(tm) =	ssettm $0x1  }
0x91: {  	s18 =	sld [smem:$0x3FFB];
	_ =	sdelay $0x3  }
0x92: {  	_ =	strace s18  }
0x93: {  	s3 =	sld [smem:$0x3FFC];
	_ =	sdelay $0x3  }
0x94: {  	_ =	strace s3  }
0x95: {  	s3 =	sld [smem:$0x3FFD];
	_ =	sdelay $0x3  }
0x96: {  	_ =	strace s3  }
0x97: {  	_ =	strace $0x8FFFFFFF  }
0x98: {  	s19 =	sld [smem:$0x3FDB];
	_ =	sdelay $0x1  }
0x99: {  	s4 =	simm.s32 $_scs_section_size  }
0x9a: {  	s5 =	simm.s32 $_size__tile_overlayer_lowered;
	s6 =	simm.s32 $_tile_overlayer_lowered  }
0x9b: {  	s22 =	simm.s32 $0x1BFF;
	s21 =	sshll.u32 s6, $0x1;
	s3 =	sadd.s32 s4, s19  }
0x9c: {  	s7 =	simm.s32 $0x0;
	s20 =	sshll.u32 s5, $0x1;
	s5 =	sadd.s32 s21, s3  }
0x9d: {  	[timem:s7], [sflag:s22] =	dma.local [hbm:s5], s20  }
0x9e: {  	_ =	swait.ge [sflag:s22], s20  }
0x9f: {  	s4 =	ssub.s32 $0x0, s20;
	[sflag:s22] =	ssyncset.done $0x0  }
0xa0: {  	[sflag:s22] =	ssyncadd.s32 s4;
	_ =	sdelay $0x1  }
0xa1: {  	s23 =	simm.s32 $0x1B8B  }
0xa2: {  	_ =	swait.ge [sflag:s23], $0x1  }
0xa3: {  	[sflag:s23] =	ssyncset.done $0x0  }
0xa4: {  	s25 =	simm.s32 $0x1B8E;
	s24 =	sld [smem:$0x3FFE];
	[sflag:s23] =	ssyncadd.s32 $0xFFFFFFFF  }
0xa5: {  	s26 =	simm.s32 $execute0_lowered;
	[smem:$0x3FD2] =	sst s25  }
0xa6: {  	s5 =	sshll.u32 s26, $0x1;
	_ =	strace $0x80000046;
	[dreg:$0x1] =	wrdreg $0xFFFFFFFF  }
0xa7: {  	s28 =	simm.s32 $_size_execute0_lowered;
	s3 =	sadd.s32 s3, s5;
	[dreg:$0x0] =	wrdreg $0x0  }
0xa8: {  	s5 =	sshll.u32 s28, $0x1;
	[dreg:$0x2] =	wrdreg s3  }
0xa9: {  	[dreg:$0x3] =	wrdreg s5  }
0xaa: {  	[dreg:$0x4] =	wrdreg $0xC0  }
0xab: {  	_ =	task [dreg:s7], $0x5FFFF  }
0xac: {  	[dreg:$0x1] =	wrdreg $0xFFFFFFFF  }
0xad: {  	[dreg:$0x0] =	wrdreg $0x60  }
0xae: {  	[dreg:$0x2] =	wrdreg s24  }
0xaf: {  	[dreg:$0x3] =	wrdreg s2  }
0xb0: {  	[dreg:$0x4] =	wrdreg $0x43000  }
0xb1: {  	[dreg:$0x5] =	wrdreg $0x9  }
0xb2: {  	_ =	task.clear_ibuf [dreg:s7], $0x6FFFF;
	_ =	strace $0x90000046  }
0xb3: {  	s29 =	simm.s32 $0x9;
	_ =	strace $0x80000048  }
0xb4: {  	_ =	swait.ge [sflag:s29], $0x1  }
0xb5: {  	[sflag:s29] =	ssyncadd.s32 $0xFFFFFFFF  }
0xb6: {  	_ =	strace $0x90000048  }
0xb7: {  	_ =	sfence  }
0xb8: {  	s30 =	sld [smem:$0x0];
	_ =	sdelay $0x2  }
0xb9: {  	s31 =	sshll.u32 s1, $0xD;
	s1 =	sshrl.u32 s1, $0x2  }
0xba: {  	s3 =	sand.u32 $0x4000, s31;
	s1 =	sadd.s32 s1, s30  }
0xbb: {  	s0 =	sor.u32 s3, s0;
	s1 =	sshll.u32 s1, $0x11  }
0xbc: {  	s0 =	sor.u32 s1, s0  }
0xbd: {  	s0 =	sadd.s32 $0x8F2B, s0  }
0xbe: {  	[sflag:s0] =	ssyncadd.remote.s32 $0x1  }
0xbf: {  	_ =	sfence.sel $0xFFFF  }
0xc0: {  	[dreg:$0x0] =	wrdreg $0xFFFFFFFF;
	(pc) =	sbr.abs _section_cstart, $3  }
0xc1: {  	[dreg:$0x1] =	wrdreg $0xFFFFFFFF  }
0xc2: {  	_ =	task.clear_ibuf [dreg:s7], $0x2FFFF;
	_ =	strace $0x9FFFFFFF  }
0xc3: {  	(tm) =	ssettm $0x7FFFFFFF  }
tec
execute0_lowered:
.L_overlay_start_1:
0x0: {  	(tag) =	ssettag $0x1  }
0x1: {  	s4 =	rddreg [dreg:$0x0]  }
0x2: {  	s6 =	rddreg [dreg:$0x1]  }
0x3: {  	s1 =	rddreg [dreg:$0x2]  }
0x4: {  	s0 =	rddreg [dreg:$0x3]  }
0x5: {  	s3 =	simm.s32 $0x0;
	s5 =	srdreg.scid;
	s2 =	stileid.u32  }
0x6: {  	s11 =	simm.s32 $0x4000;
	s14 =	simm.s32 $0x20;
	s15 =	simm.s32 $0x10  }
0x7: {  	s16 =	simm.s32 $0x0;
	[smem:$0x7FF] =	sst s3;
	s9 =	smul.u32 $0xA00, s2  }
0x8: {  	s5 =	sand.u32 $0x1, s5;
	s7 =	sshll.u32 s2, $0xB;
	s10 =	smul.u32 $0x500, s2  }
0x9: {  	s12 =	sshll.u32 s2, $0x6;
	_ =	strace $0x80000047;
	s8 =	ssub.s32 $0x2, s5  }
0xa: {  	s4 =	sadd.s32 s7, s4;
	s30 =	sshll.u32 s5, $0xF;
	s5 =	sshll.u32 s5, $0x7  }
0xb: {  	s12 =	sor.u32 $0x1C01, s12;
	s29 =	sshrl.u32 s8, $0x1;
	s9 =	sshrl.u32 s9, $0x2  }
0xc: {  	s10 =	sor.u32 s5, s10;
	s7 =	ssub.s32 s8, s29;
	s8 =	sadd.s32 s30, s4  }
0xd: {  	s4 =	sadd.s32 s9, s1;
	s31 =	sshrl.u32 s10, $0x3;
	s9 =	simm.s32 $0x1  }
0xe: {  	s10 =	simm.s32 $0x50;
	s5 =	sadd.s32 $0x3400, s8;
	s6 =	sadd.s32 s6, s31  }
0xf: {  	v0 =	vimm.f32 $1.000000000e+00;
	v1 =	vimm.f32 $0.0e+00;
	s7 =	smax.u32 s7, $0x1;
	s8 =	simm.s32 $0x4080;
	s13 =	sshrl.u32 s4, $0x3  }
.LBB2_1:
0x10: {  	[tilespmem:$0x4000] =	vst v0  }
0x11: {  	[tilespmem:$0x4010] =	vst v0  }
0x12: {  	[tilespmem:$0x4020] =	vst v0  }
0x13: {  	[tilespmem:$0x4030] =	vst v0  }
0x14: {  	[tilespmem:$0x4040] =	vst v0  }
0x15: {  	[tilespmem:$0x4080] =	vst v1  }
0x16: {  	[tilespmem:$0x4090] =	vst v1  }
0x17: {  	[tilespmem:$0x40A0] =	vst v1  }
0x18: {  	[tilespmem:$0x40B0] =	vst v1  }
0x19: {  	[tilespmem:$0x40C0] =	vst v1  }
0x1a: {  	[tilespmem:$0x40D0] =	vst v1  }
0x1b: {  	[tilespmem:$0x40E0] =	vst v1  }
0x1c: {  	[tilespmem:$0x40F0] =	vst v1  }
0x1d: {  	[tilespmem:$0x4100] =	vst v1  }
0x1e: {  	[tilespmem:$0x4110] =	vst v1  }
0x1f: {  	[tilespmem:$0x4120] =	vst v1  }
0x20: {  	[tilespmem:$0x4130] =	vst v1  }
0x21: {  	[tilespmem:$0x4140] =	vst v1  }
0x22: {  	[tilespmem:$0x4150] =	vst v1  }
0x23: {  	[tilespmem:$0x4160] =	vst v1  }
0x24: {  	[tilespmem:$0x4170] =	vst v1  }
0x25: {  	[tilespmem:$0x4180] =	vst v1  }
0x26: {  	[tilespmem:$0x4190] =	vst v1  }
0x27: {  	[tilespmem:$0x41A0] =	vst v1  }
0x28: {  	[tilespmem:$0x41B0] =	vst v1  }
0x29: {  	[tilespmem:$0x41C0] =	vst v1  }
0x2a: {  	[tilespmem:$0x41D0] =	vst v1  }
0x2b: {  	[tilespmem:$0x41E0] =	vst v1  }
0x2c: {  	[tilespmem:$0x41F0] =	vst v1  }
0x2d: {  	[tilespmem:$0x4200] =	vst v1  }
0x2e: {  	[tilespmem:$0x4210] =	vst v1  }
0x2f: {  	[tilespmem:$0x4220] =	vst v1  }
0x30: {  	[tilespmem:$0x4230] =	vst v1  }
0x31: {  	[tilespmem:$0x4240] =	vst v1  }
0x32: {  	[tilespmem:$0x4250] =	vst v1  }
0x33: {  	[tilespmem:$0x4260] =	vst v1  }
0x34: {  	[tilespmem:$0x4270] =	vst v1  }
0x35: {  	[tilespmem:$0x4280] =	vst v1  }
0x36: {  	[tilespmem:$0x4290] =	vst v1  }
0x37: {  	[tilespmem:$0x42A0] =	vst v1  }
0x38: {  	[tilespmem:$0x42B0] =	vst v1  }
0x39: {  	[tilespmem:$0x42C0] =	vst v1  }
0x3a: {  	[tilespmem:$0x42D0] =	vst v1  }
0x3b: {  	[tilespmem:$0x42E0] =	vst v1  }
0x3c: {  	[tilespmem:$0x42F0] =	vst v1  }
0x3d: {  	[spmem:s4] =	stream.linear.scatter [tilespmem:s8], [sflag:$0x1], $0x280, $0x38;
	[tilespmem:$0x4580] =	vst v63  }
0x3e: {  	_ =	swait.ge [sflag:s9], $0x280  }
0x3f: {  	[sflag:s9] =	ssyncset.done $0x0  }
0x40: {  	[sflag:s9] =	ssyncadd.s32 $0xFFFFFD80  }
0x41: {  	[bflag:$0x0] =	sbarrier.arrive $0xFFFF  }
0x42: {  	[tilespmem:s3], [sflag:$0x1] =	stream.linear.gather [hbm4b:s5+s3], $0x3E80, $0x38;
	[tilespmem:$0x4580] =	vst v63  }
0x43: {  	_ =	swait.ge [sflag:s9], $0x3E80  }
0x44: {  	[sflag:s9] =	ssyncset.done $0x0  }
0x45: {  	s17 =	simm.s32 $0x0;
	[sflag:s9] =	ssyncadd.s32 $0xFFFFC180  }
0x46: {  	[spmem:s1] =	stream.indirect.scatter.add.f32 [tilespmem:s11], [sflag:$0x1], $0x1, s17, s10, $0xb8;
	[tilespmem:$0x4580] =	vst v63  }
0x47: {  	_ =	swait.ge [sflag:s9], $0x50  }
0x48: {  	s17 =	simm.s32 $0x200;
	[sflag:s9] =	ssyncset.done $0x0  }
.LBB2_2:
0x49: {  	s18 =	sshra.s32 s17, $0x2;
	[sflag:s9] =	ssyncadd.s32 $0xFFFFFFB0;
	p0 =	sne.s32 s17, $0xF800  }
0x4a: {  	[spmem:s1] =	stream.indirect.scatter.add.f32 [tilespmem:s11], [sflag:$0x1], $0x1, s18, s10, $0xb8;
	[tilespmem:$0x4580] =	vst v63  }
.Ltmp0:
0x4b: {  	_ = 	snop;
	(pc) =	sbr.rel @p0 .LBB2_2-.Ltmp0, $4  }
0x4c: {  	_ = 	snop  }
0x4d: {  	s17 =	sadd.s32 $0x200, s17  }
0x4e: {  	_ =	swait.ge [sflag:s9], $0x50  }
0x4f: {  	[sflag:s9] =	ssyncset.done $0x0  }
0x50: {  	s16 =	sadd.s32 $0x1, s16  }
0x51: {  	[sflag:s9] =	ssyncadd.s32 $0xFFFFFFB0;
	p0 =	sne.s32 s16, s7  }
.Ltmp1:
0x52: {  	[bflag:$0x0] =	sbarrier.arrive $0xFFFF;
	(pc) =	sbr.rel @p0 .LBB2_1-.Ltmp1, $4  }
0x53: {  	[hbm:s6@s14], [sflag:s12] =	dma.strided [spmem:s13@s15], $0x50, s9, $0x10   }
0x54: {  	_ =	swait.ge [sflag:s9], $0x50  }
0x55: {  	[sflag:s9] =	ssyncset.done $0x0  }
0x56: {  	[sflag:s9] =	ssyncadd.s32 $0xFFFFFFB0  }
0x57: {  	_ =	sfence.sel $0x180000  }
0x58: {  	[bflag:$0x0] =	sbarrier.arrive $0xFFFF  }
0x59: {  	p0 =	sne.s32 s2, $0x0;
	_ =	strace $0x90000047  }
0x5a: {  	s0 =	sadd.s32 @!p0 $0x100000, s0;
	[bflag:$0x2] =	sbarrier.arrive $0xFFFF  }
0x5b: {  	[sflag:s0] =	ssyncadd.tile.s32 @!p0 $0x1;
	_ =	shalt  }
.Lfunc_end2:
_tile_overlayer_lowered:
.L_overlay_start_2:
0x5c: {  	(tag) =	ssettag $0x2  }
0x5d: {  	s0 =	rddreg [dreg:$0x0];
	s2 =	stileid.u32  }
0x5e: {  	s1 =	rddreg [dreg:$0x1];
	p0 =	sne.s32 s2, $0x0  }
0x5f: {  	s3 =	rddreg [dreg:$0x2];
	[bflag:$0x3] =	sbarrier.arrive $0xFFFF;
	s2 =	simm.s32 @!p0 $0x1C01  }
0x60: {  	[timem:s3], [sflag:s2] =	dma.local @!p0 [hbm:s0], s1  }
0x61: {  	s0 =	simm.s32 @!p0 $0x1  }
0x62: {  	_ =	swait.ge @!p0 [sflag:s0], s1  }
0x63: {  	s1 =	ssub.s32 @!p0 $0x0, s1;
	[sflag:s0] =	ssyncset.done @!p0 $0x0  }
0x64: {  	[sflag:s0] =	ssyncadd.s32 @!p0 s1  }
0x65: {  	[bflag:$0x3] =	sbarrier.arrive $0xFFFF  }
0x66: {  	_ =	shalt  }

</sc_bundles>
